<compile_context>
chip_gen: v7x
topology: tpu7x:2x2x1
jax: 0.10.2.dev20260603
libtpu: 0.0.44.dev20260713+nightly
codegen_flags: <defaults>
</compile_context>

<pallas_src>
import functools

import jax
import jax.numpy as jnp
from jax import lax
from jax.experimental import pallas as pl
from jax.experimental.pallas import tpu as pltpu
from jax.experimental.pallas import tpu_sc as plsc

N = 100000
D = 128
B = 1024

NT = 40000
NS = N - NT

R = 1000
NBT = NT // R

NW = 32
RPW = NS // NW
C = 112
SPAN = 2016
NCH = SPAN // C
NJ = D // 16

_mesh = plsc.VectorSubcoreMesh(core_axis_name="c", subcore_axis_name="s")


def _allsum16(v):
    idx = lax.broadcasted_iota(jnp.int32, (16,), 0)
    dn = lax.GatherDimensionNumbers(
        offset_dims=(), collapsed_slice_dims=(0,), start_index_map=(0,))
    for sh in (1, 2, 4, 8):
        perm = jnp.bitwise_xor(idx, sh)
        v = v + lax.gather(v, perm.reshape(16, 1), dn, (1,),
                           mode=lax.GatherScatterMode.PROMISE_IN_BOUNDS)
    return v


@functools.partial(
    pl.kernel,
    mesh=_mesh,
    out_type=jax.ShapeDtypeStruct((2, B, D), jnp.float32),
    scratch_types=[
        pltpu.VMEM((C, D), jnp.float32),
        pltpu.VMEM((C, D), jnp.float32),
        pltpu.VMEM((C, D), jnp.float32),
        pltpu.VMEM((C, D), jnp.float32),
        pltpu.VMEM((NCH, C), jnp.int32),
        pltpu.VMEM((D,), jnp.float32),
        pltpu.VMEM((16,), jnp.float32),
        pltpu.VMEM_SHARED((B, D), jnp.float32),
        pltpu.SemaphoreType.DMA,
        pltpu.SemaphoreType.DMA,
        pltpu.SemaphoreType.DMA,
        pltpu.SemaphoreType.DMA,
        pltpu.SemaphoreType.DMA,
    ],
)
def _sc_weight_sum(feats_hbm, seg_hbm, w_hbm, b_hbm, out_hbm,
                   fbuf0, fbuf1, sbuf0, sbuf1, idbuf, wbuf, bbuf, acc,
                   rsem0, rsem1, ssem0, ssem1, isem):
    cid = lax.axis_index("c")
    sid = lax.axis_index("s")
    wid = sid * 2 + cid
    lo = NT + wid * RPW
    hi = lo + RPW
    base8 = jnp.minimum((lo // 8) * 8, N - SPAN)

    pltpu.sync_copy(w_hbm, wbuf)
    pltpu.sync_copy(b_hbm, bbuf)

    def idstart(k, carry):
        pltpu.async_copy(seg_hbm.at[pl.ds(base8 + k * C, C)], idbuf.at[k], isem)
        return carry

    lax.fori_loop(0, NCH, idstart, 0)

    def iddrain(k, carry):
        pltpu.make_async_copy(
            seg_hbm.at[pl.ds(base8 + k * C, C)], idbuf.at[k], isem).wait()
        return carry

    lax.fori_loop(0, NCH, iddrain, 0)

    zrows = B // 16
    zero = jnp.zeros((16,), jnp.float32)

    def zbody(r, carry):
        for j in range(NJ):
            sbuf0[r, pl.ds(16 * j, 16)] = zero
        return carry

    lax.fori_loop(0, zrows, zbody, 0)
    pltpu.sync_copy(sbuf0.at[pl.ds(0, zrows)], acc.at[pl.ds(sid * zrows, zrows)])
    plsc.subcore_barrier()

    wv = tuple(wbuf[pl.ds(16 * j, 16)] for j in range(NJ))
    bv = bbuf[...]
    fbufs = (fbuf0, fbuf1)
    sbufs = (sbuf0, sbuf1)
    rsems = (rsem0, rsem1)
    ssems = (ssem0, ssem1)

    def _feats_slice(k):
        return feats_hbm.at[pl.ds(base8 + k * C, C)]

    pltpu.async_copy(_feats_slice(0), fbuf0, rsem0)
    pltpu.async_copy(_feats_slice(1), fbuf1, rsem1)

    def outer(kk, carry):
        for b in (0, 1):
            k = 2 * kk + b
            fb, sb, rs, ss = fbufs[b], sbufs[b], rsems[b], ssems[b]
            pltpu.make_async_copy(_feats_slice(k), fb, rs).wait()

            @pl.when(k >= 2)
            def _wait_prev_scatter():
                pltpu.make_async_copy(sb, acc.at[idbuf.at[k - 2]], ss).wait()

            @plsc.parallel_loop(0, C, unroll=2)
            def row_body(r):
                g = base8 + k * C + r
                valid = jnp.logical_and(g >= lo, g < hi)
                f = [fb[r, pl.ds(16 * j, 16)] for j in range(NJ)]
                p = f[0] * wv[0]
                for j in range(1, NJ):
                    p = p + f[j] * wv[j]
                sv = _allsum16(p) + bv
                m = jnp.where(valid, 1.0, 0.0).astype(jnp.float32)
                w16 = jnp.full((16,), m, jnp.float32) / (1.0 + jnp.exp(-sv))
                for j in range(NJ):
                    sb[r, pl.ds(16 * j, 16)] = f[j] * w16

            @pl.when(k + 2 < NCH)
            def _prefetch_next():
                pltpu.async_copy(_feats_slice(k + 2), fb, rs)

            pltpu.async_copy(sb, acc.at[idbuf.at[k]], ss, add=True)
        return carry

    lax.fori_loop(0, NCH // 2, outer, 0)

    pltpu.make_async_copy(sbuf0, acc.at[idbuf.at[NCH - 2]], ssem0).wait()
    pltpu.make_async_copy(sbuf1, acc.at[idbuf.at[NCH - 1]], ssem1).wait()

    plsc.subcore_barrier()
    pltpu.sync_copy(acc.at[pl.ds(sid * zrows, zrows)],
                    out_hbm.at[cid, pl.ds(sid * zrows, zrows)])


WK = 128


def _tc_body(seg_ref, feats_ref, W_ref, b_ref, out_ref):
    i = pl.program_id(0)

    @pl.when(i == 0)
    def _init():
        out_ref[...] = jnp.zeros_like(out_ref)

    f = feats_ref[...]
    y = jnp.dot(f, W_ref[...], preferred_element_type=jnp.float32) + b_ref[0, 0]
    w = 1.0 / (1.0 + jnp.exp(-y))
    weighted = (f * w).astype(jnp.bfloat16)
    seg = seg_ref[0, 0, :]
    base = jnp.minimum((seg[0] // 8) * 8, B - WK)
    span_ok = seg[R - 1] - base < WK

    @pl.when(span_ok)
    def _windowed():
        onehot = (
            seg[None, :] - base
            == jax.lax.broadcasted_iota(jnp.int32, (WK, R), 0)
        ).astype(jnp.bfloat16)
        out_ref[pl.ds(base, WK), :] += jnp.dot(
            onehot, weighted, preferred_element_type=jnp.float32)

    @pl.when(jnp.logical_not(span_ok))
    def _full():
        onehot = (
            seg[None, :] == jax.lax.broadcasted_iota(jnp.int32, (B, R), 0)
        ).astype(jnp.bfloat16)
        out_ref[...] += jnp.dot(
            onehot, weighted, preferred_element_type=jnp.float32)


def _tc_partial(feats, seg, W, b):
    seg3 = seg.reshape(N // R, 1, R)
    b2 = b.reshape(1, 1).astype(jnp.float32)
    return pl.pallas_call(
        _tc_body,
        grid=(NBT,),
        in_specs=[
            pl.BlockSpec((1, 1, R), lambda i: (i, 0, 0)),
            pl.BlockSpec((R, D), lambda i: (i, 0)),
            pl.BlockSpec((D, 1), lambda i: (0, 0)),
            pl.BlockSpec((1, 1), lambda i: (0, 0)),
        ],
        out_specs=pl.BlockSpec((B, D), lambda i: (0, 0)),
        out_shape=jax.ShapeDtypeStruct((B, D), jnp.float32),
    )(seg3, feats, W, b2)


def _combine_body(tc_ref, p_ref, out_ref):
    out_ref[...] = tc_ref[...] + p_ref[0] + p_ref[1]


def _combine(tc_part, sc_partials):
    return pl.pallas_call(
        _combine_body,
        out_shape=jax.ShapeDtypeStruct((B, D), jnp.float32),
    )(tc_part, sc_partials)


def kernel(feats, segment_ids, W, b):
    seg = segment_ids.astype(jnp.int32)
    bvec = jnp.broadcast_to(b.astype(jnp.float32), (16,))
    sc_partials = _sc_weight_sum(feats, seg, W.reshape(D), bvec)
    tc_part = _tc_partial(feats, seg, W, b)
    return _combine(tc_part, sc_partials)

# --- scband reference (transcript-rebuilt; emitter-appended) ---
"""Pipeline reference for scband-weight-and-sum-26542897889314 (READ-ONLY COPY).

The authoritative reference and input builder live on the scoring server;
editing this copy changes nothing except your own understanding.
"""

import jax, jax.numpy as jnp
import numpy as np

N = 100000
D = 128
B = 1024

def setup_inputs(seed: int = 0) -> dict:
    key = jax.random.key(seed)
    k1, k2, k3 = jax.random.split(key, 3)
    feats = jax.random.normal(k1, (N, D), dtype=jnp.float32)
    segment_ids = jnp.sort(jax.random.randint(k2, (N,), 0, B))
    # Parameters of atom_weighting = Linear(in_feats, 1) followed by Sigmoid
    W = jax.random.normal(k3, (D, 1), dtype=jnp.float32) * (1.0 / np.sqrt(D))
    b = jnp.zeros((1,), dtype=jnp.float32)
    return {"feats": feats, "segment_ids": segment_ids, "W": W, "b": b}

def reference(feats, segment_ids, W, b):
    # atom_weighting: sigmoid(Linear(feats)) -> per-atom scalar weight [N, 1]
    w = jax.nn.sigmoid(feats @ W + b)
    # weighted node features
    weighted = feats * w
    # sum_nodes: per-graph weighted segment sum -> [B, D]
    h_g_sum = jax.ops.segment_sum(weighted, segment_ids, num_segments=B)
    return h_g_sum

if __name__ == "__main__":
    import jax
    _d = setup_inputs()
    print(jax.jit(kernel)(*tuple(_d.values())))

</pallas_src>

<mosaic_0001>
#map = affine_map<(d0, d1) -> (0, 0)>
#map1 = affine_map<(d0, d1) -> (0)>
#map2 = affine_map<(d0, d1) -> (0, 0, 0)>
module attributes {stable_mosaic.version = 14 : i64} {
  func.func @_sc_weight_sum(%arg0: i32, %arg1: i32, %arg2: memref<100000x128xf32, #tpu.memory_space<hbm>>, %arg3: memref<100000xi32, #tpu.memory_space<hbm>>, %arg4: memref<128xf32, #tpu.memory_space<hbm>>, %arg5: memref<16xf32, #tpu.memory_space<hbm>>, %arg6: memref<2x1024x128xf32, #tpu.memory_space<hbm>>, %arg7: memref<112x128xf32, #tpu.memory_space<vmem>>, %arg8: memref<112x128xf32, #tpu.memory_space<vmem>>, %arg9: memref<112x128xf32, #tpu.memory_space<vmem>>, %arg10: memref<112x128xf32, #tpu.memory_space<vmem>>, %arg11: memref<18x112xi32, #tpu.memory_space<vmem>>, %arg12: memref<128xf32, #tpu.memory_space<vmem>>, %arg13: memref<16xf32, #tpu.memory_space<vmem>>, %arg14: memref<1024x128xf32, #tpu.memory_space<vmem_shared>>, %arg15: memref<!tpu.dma_semaphore, #tpu.memory_space<semaphore_mem>>, %arg16: memref<!tpu.dma_semaphore, #tpu.memory_space<semaphore_mem>>, %arg17: memref<!tpu.dma_semaphore, #tpu.memory_space<semaphore_mem>>, %arg18: memref<!tpu.dma_semaphore, #tpu.memory_space<semaphore_mem>>, %arg19: memref<!tpu.dma_semaphore, #tpu.memory_space<semaphore_mem>>) attributes {dimension_semantics = [#tpu.dimension_semantics<core_parallel>, #tpu.dimension_semantics<subcore_parallel>], iteration_bounds = array<i64: 2, 16>, scalar_prefetch = 0 : i64, scratch_operands = 13 : i64, tpu.core_type = #tpu.core_type<sc_vector_subcore>, window_params = [{transform_indices = #map}, {transform_indices = #map1}, {transform_indices = #map1}, {transform_indices = #map1}, {transform_indices = #map2}]} {
    %mul3A = arith.constant 2 : i32
    %mul3A_0 = arith.muli %arg1, %mul3A : i32
    %add3A = arith.addi %mul3A_0, %arg0 : i32
    %mul3A_1 = arith.constant 1875 : i32
    %mul3A_2 = arith.muli %add3A, %mul3A_1 : i32
    %add3A_3 = arith.constant 40000 : i32
    %add3A_4 = arith.addi %add3A_3, %mul3A_2 : i32
    %add3A_5 = arith.constant 1875 : i32
    %add3A_6 = arith.addi %add3A_4, %add3A_5 : i32
    %jit3A = arith.constant 8 : i32
    %div3A = arith.divsi %add3A_4, %jit3A : i32
    %sign3A = arith.constant 0 : i32
    %sign3A_7 = arith.cmpi sgt, %add3A_4, %sign3A : i32
    %sign3A_8 = arith.extui %sign3A_7 : i1 to i32
    %sign3A_9 = arith.constant 0 : i32
    %sign3A_10 = arith.cmpi slt, %add3A_4, %sign3A_9 : i32
    %sign3A_11 = arith.extui %sign3A_10 : i1 to i32
    %sign3A_12 = arith.subi %sign3A_8, %sign3A_11 : i32
    %sign3A_13 = arith.constant 0 : i32
    %sign3A_14 = arith.cmpi sgt, %jit3A, %sign3A_13 : i32
    %sign3A_15 = arith.extui %sign3A_14 : i1 to i32
    %sign3A_16 = arith.constant 0 : i32
    %sign3A_17 = arith.cmpi slt, %jit3A, %sign3A_16 : i32
    %sign3A_18 = arith.extui %sign3A_17 : i1 to i32
    %sign3A_19 = arith.subi %sign3A_15, %sign3A_18 : i32
    %ne3A = arith.cmpi ne, %sign3A_12, %sign3A_19 : i32
    %rem3A = arith.remsi %add3A_4, %jit3A : i32
    %ne3A_20 = arith.constant 0 : i32
    %ne3A_21 = arith.cmpi ne, %rem3A, %ne3A_20 : i32
    %and3A = arith.andi %ne3A, %ne3A_21 : i1
    %sub3A = arith.constant 1 : i32
    %sub3A_22 = arith.subi %div3A, %sub3A : i32
    %select_n3A = arith.select %and3A, %sub3A_22, %div3A : i32
    %mul3A_23 = arith.constant 8 : i32
    %mul3A_24 = arith.muli %select_n3A, %mul3A_23 : i32
    %min3A = arith.constant 97984 : i32
    %min3A_25 = arith.minsi %mul3A_24, %min3A : i32
    "tpu.region"() ({
      %run_scoped3A = tpu.sem_alloc : memref<!tpu.dma_semaphore, #tpu.memory_space<semaphore_mem>>
      tpu.enqueue_dma source(%arg4 : memref<128xf32, #tpu.memory_space<hbm>>) target(%arg12 : memref<128xf32, #tpu.memory_space<vmem>>) target_semaphore(%run_scoped3A : memref<!tpu.dma_semaphore, #tpu.memory_space<semaphore_mem>>)
      tpu.wait_dma2 semaphore(%run_scoped3A : memref<!tpu.dma_semaphore, #tpu.memory_space<semaphore_mem>>) src(%arg4 : memref<128xf32, #tpu.memory_space<hbm>>) dst(%arg12 : memref<128xf32, #tpu.memory_space<vmem>>)
      tpu.yield
    }) : () -> ()
    "tpu.region"() ({
      %run_scoped3A = tpu.sem_alloc : memref<!tpu.dma_semaphore, #tpu.memory_space<semaphore_mem>>
      tpu.enqueue_dma source(%arg5 : memref<16xf32, #tpu.memory_space<hbm>>) target(%arg13 : memref<16xf32, #tpu.memory_space<vmem>>) target_semaphore(%run_scoped3A : memref<!tpu.dma_semaphore, #tpu.memory_space<semaphore_mem>>)
      tpu.wait_dma2 semaphore(%run_scoped3A : memref<!tpu.dma_semaphore, #tpu.memory_space<semaphore_mem>>) src(%arg5 : memref<16xf32, #tpu.memory_space<hbm>>) dst(%arg13 : memref<16xf32, #tpu.memory_space<vmem>>)
      tpu.yield
    }) : () -> ()
    %scan3A = arith.constant 0 : i32
    %scan3A_26 = arith.constant 0 : i32
    %scan3A_27 = arith.constant 18 : i32
    %scan3A_28 = arith.addi %scan3A_26, %scan3A_27 : i32
    %scan3A_29 = arith.constant 1 : i32
    scf.for %scan3A_107 = %scan3A_26 to %scan3A_28 step %scan3A_29  : i32 {
      %mul3A_108 = arith.constant 112 : i32
      %mul3A_109 = arith.muli %scan3A_107, %mul3A_108 : i32
      %add3A_110 = arith.addi %min3A_25, %mul3A_109 : i32
      %dma_start3A_111 = arith.constant 0 : i32
      %dma_start3A_112 = tpu.memref_slice %arg11[%scan3A_107, %dma_start3A_111] : memref<18x112xi32, #tpu.memory_space<vmem>> -> memref<1x112xi32, #tpu.memory_space<vmem>>
      %dma_start3A_113 = tpu.memref_squeeze %dma_start3A_112 : memref<1x112xi32, #tpu.memory_space<vmem>> -> memref<112xi32, #tpu.memory_space<vmem>>
      %dma_start3A_114 = tpu.memref_slice %arg3[%add3A_110] : memref<100000xi32, #tpu.memory_space<hbm>> -> memref<112xi32, #tpu.memory_space<hbm>>
      %dma_start3A_115 = arith.constant 0 : i32
      %dma_start3A_116 = tpu.memref_slice %arg11[%scan3A_107, %dma_start3A_115] : memref<18x112xi32, #tpu.memory_space<vmem>> -> memref<1x112xi32, #tpu.memory_space<vmem>>
      %dma_start3A_117 = tpu.memref_squeeze %dma_start3A_116 : memref<1x112xi32, #tpu.memory_space<vmem>> -> memref<112xi32, #tpu.memory_space<vmem>>
      %dma_start3A_118 = tpu.memref_slice %arg3[%add3A_110] : memref<100000xi32, #tpu.memory_space<hbm>> -> memref<112xi32, #tpu.memory_space<hbm>>
      tpu.enqueue_dma source(%dma_start3A_118 : memref<112xi32, #tpu.memory_space<hbm>>) target(%dma_start3A_117 : memref<112xi32, #tpu.memory_space<vmem>>) target_semaphore(%arg19 : memref<!tpu.dma_semaphore, #tpu.memory_space<semaphore_mem>>)
    }
    %scan3A_30 = arith.constant 18 : i32
    %scan3A_31 = arith.constant 0 : i32
    %scan3A_32 = arith.constant 0 : i32
    %scan3A_33 = arith.constant 18 : i32
    %scan3A_34 = arith.addi %scan3A_32, %scan3A_33 : i32
    %scan3A_35 = arith.constant 1 : i32
    scf.for %scan3A_107 = %scan3A_32 to %scan3A_34 step %scan3A_35  : i32 {
      %mul3A_108 = arith.constant 112 : i32
      %mul3A_109 = arith.muli %scan3A_107, %mul3A_108 : i32
      %add3A_110 = arith.addi %min3A_25, %mul3A_109 : i32
      %dma_wait3A_111 = arith.constant 0 : i32
      %dma_wait3A_112 = tpu.memref_slice %arg11[%scan3A_107, %dma_wait3A_111] : memref<18x112xi32, #tpu.memory_space<vmem>> -> memref<1x112xi32, #tpu.memory_space<vmem>>
      %dma_wait3A_113 = tpu.memref_squeeze %dma_wait3A_112 : memref<1x112xi32, #tpu.memory_space<vmem>> -> memref<112xi32, #tpu.memory_space<vmem>>
      %dma_wait3A_114 = tpu.memref_slice %arg3[%add3A_110] : memref<100000xi32, #tpu.memory_space<hbm>> -> memref<112xi32, #tpu.memory_space<hbm>>
      %dma_wait3A_115 = arith.constant 0 : i32
      %dma_wait3A_116 = tpu.memref_slice %arg11[%scan3A_107, %dma_wait3A_115] : memref<18x112xi32, #tpu.memory_space<vmem>> -> memref<1x112xi32, #tpu.memory_space<vmem>>
      %dma_wait3A_117 = tpu.memref_squeeze %dma_wait3A_116 : memref<1x112xi32, #tpu.memory_space<vmem>> -> memref<112xi32, #tpu.memory_space<vmem>>
      %dma_wait3A_118 = tpu.memref_slice %arg3[%add3A_110] : memref<100000xi32, #tpu.memory_space<hbm>> -> memref<112xi32, #tpu.memory_space<hbm>>
      tpu.wait_dma2 semaphore(%arg19 : memref<!tpu.dma_semaphore, #tpu.memory_space<semaphore_mem>>) src(%dma_wait3A_118 : memref<112xi32, #tpu.memory_space<hbm>>) dst(%dma_wait3A_117 : memref<112xi32, #tpu.memory_space<vmem>>)
    }
    %scan3A_36 = arith.constant 18 : i32
    %broadcast_in_dim3A = arith.constant 0.000000e+00 : f32
    %broadcast_in_dim3A_37 = vector.broadcast %broadcast_in_dim3A : f32 to vector<16xf32>
    %scan3A_38 = arith.constant 0 : i32
    %scan3A_39 = arith.constant 0 : i32
    %scan3A_40 = arith.constant 64 : i32
    %scan3A_41 = arith.addi %scan3A_39, %scan3A_40 : i32
    %scan3A_42 = arith.constant 1 : i32
    scf.for %scan3A_107 = %scan3A_39 to %scan3A_41 step %scan3A_42  : i32 {
      %swap3A = arith.index_cast %scan3A_107 : i32 to index
      %swap3A_108 = arith.constant 0 : index
      %swap3A_109 = tpu.vector_load %arg9[%swap3A, %swap3A_108] {strides = array<i32>} : memref<112x128xf32, #tpu.memory_space<vmem>>, vector<1x16xf32>,
      %swap3A_110 = vector.shape_cast %swap3A_109 : vector<1x16xf32> to vector<16xf32>
      %swap3A_111 = vector.shape_cast %broadcast_in_dim3A_37 : vector<16xf32> to vector<1x16xf32>
      tpu.vector_store %arg9[%swap3A, %swap3A_108], %swap3A_111 {strides = array<i32>} : memref<112x128xf32, #tpu.memory_space<vmem>>, vector<1x16xf32>,
      %swap3A_112 = arith.index_cast %scan3A_107 : i32 to index
      %swap3A_113 = arith.constant 16 : index
      %swap3A_114 = tpu.vector_load %arg9[%swap3A_112, %swap3A_113] {strides = array<i32>} : memref<112x128xf32, #tpu.memory_space<vmem>>, vector<1x16xf32>,
      %swap3A_115 = vector.shape_cast %swap3A_114 : vector<1x16xf32> to vector<16xf32>
      %swap3A_116 = vector.shape_cast %broadcast_in_dim3A_37 : vector<16xf32> to vector<1x16xf32>
      tpu.vector_store %arg9[%swap3A_112, %swap3A_113], %swap3A_116 {strides = array<i32>} : memref<112x128xf32, #tpu.memory_space<vmem>>, vector<1x16xf32>,
      %swap3A_117 = arith.index_cast %scan3A_107 : i32 to index
      %swap3A_118 = arith.constant 32 : index
      %swap3A_119 = tpu.vector_load %arg9[%swap3A_117, %swap3A_118] {strides = array<i32>} : memref<112x128xf32, #tpu.memory_space<vmem>>, vector<1x16xf32>,
      %swap3A_120 = vector.shape_cast %swap3A_119 : vector<1x16xf32> to vector<16xf32>
      %swap3A_121 = vector.shape_cast %broadcast_in_dim3A_37 : vector<16xf32> to vector<1x16xf32>
      tpu.vector_store %arg9[%swap3A_117, %swap3A_118], %swap3A_121 {strides = array<i32>} : memref<112x128xf32, #tpu.memory_space<vmem>>, vector<1x16xf32>,
      %swap3A_122 = arith.index_cast %scan3A_107 : i32 to index
      %swap3A_123 = arith.constant 48 : index
      %swap3A_124 = tpu.vector_load %arg9[%swap3A_122, %swap3A_123] {strides = array<i32>} : memref<112x128xf32, #tpu.memory_space<vmem>>, vector<1x16xf32>,
      %swap3A_125 = vector.shape_cast %swap3A_124 : vector<1x16xf32> to vector<16xf32>
      %swap3A_126 = vector.shape_cast %broadcast_in_dim3A_37 : vector<16xf32> to vector<1x16xf32>
      tpu.vector_store %arg9[%swap3A_122, %swap3A_123], %swap3A_126 {strides = array<i32>} : memref<112x128xf32, #tpu.memory_space<vmem>>, vector<1x16xf32>,
      %swap3A_127 = arith.index_cast %scan3A_107 : i32 to index
      %swap3A_128 = arith.constant 64 : index
      %swap3A_129 = tpu.vector_load %arg9[%swap3A_127, %swap3A_128] {strides = array<i32>} : memref<112x128xf32, #tpu.memory_space<vmem>>, vector<1x16xf32>,
      %swap3A_130 = vector.shape_cast %swap3A_129 : vector<1x16xf32> to vector<16xf32>
      %swap3A_131 = vector.shape_cast %broadcast_in_dim3A_37 : vector<16xf32> to vector<1x16xf32>
      tpu.vector_store %arg9[%swap3A_127, %swap3A_128], %swap3A_131 {strides = array<i32>} : memref<112x128xf32, #tpu.memory_space<vmem>>, vector<1x16xf32>,
      %swap3A_132 = arith.index_cast %scan3A_107 : i32 to index
      %swap3A_133 = arith.constant 80 : index
      %swap3A_134 = tpu.vector_load %arg9[%swap3A_132, %swap3A_133] {strides = array<i32>} : memref<112x128xf32, #tpu.memory_space<vmem>>, vector<1x16xf32>,
      %swap3A_135 = vector.shape_cast %swap3A_134 : vector<1x16xf32> to vector<16xf32>
      %swap3A_136 = vector.shape_cast %broadcast_in_dim3A_37 : vector<16xf32> to vector<1x16xf32>
      tpu.vector_store %arg9[%swap3A_132, %swap3A_133], %swap3A_136 {strides = array<i32>} : memref<112x128xf32, #tpu.memory_space<vmem>>, vector<1x16xf32>,
      %swap3A_137 = arith.index_cast %scan3A_107 : i32 to index
      %swap3A_138 = arith.constant 96 : index
      %swap3A_139 = tpu.vector_load %arg9[%swap3A_137, %swap3A_138] {strides = array<i32>} : memref<112x128xf32, #tpu.memory_space<vmem>>, vector<1x16xf32>,
      %swap3A_140 = vector.shape_cast %swap3A_139 : vector<1x16xf32> to vector<16xf32>
      %swap3A_141 = vector.shape_cast %broadcast_in_dim3A_37 : vector<16xf32> to vector<1x16xf32>
      tpu.vector_store %arg9[%swap3A_137, %swap3A_138], %swap3A_141 {strides = array<i32>} : memref<112x128xf32, #tpu.memory_space<vmem>>, vector<1x16xf32>,
      %swap3A_142 = arith.index_cast %scan3A_107 : i32 to index
      %swap3A_143 = arith.constant 112 : index
      %swap3A_144 = tpu.vector_load %arg9[%swap3A_142, %swap3A_143] {strides = array<i32>} : memref<112x128xf32, #tpu.memory_space<vmem>>, vector<1x16xf32>,
      %swap3A_145 = vector.shape_cast %swap3A_144 : vector<1x16xf32> to vector<16xf32>
      %swap3A_146 = vector.shape_cast %broadcast_in_dim3A_37 : vector<16xf32> to vector<1x16xf32>
      tpu.vector_store %arg9[%swap3A_142, %swap3A_143], %swap3A_146 {strides = array<i32>} : memref<112x128xf32, #tpu.memory_space<vmem>>, vector<1x16xf32>,
    }
    %scan3A_43 = arith.constant 64 : i32
    %mul3A_44 = arith.constant 64 : i32
    %mul3A_45 = arith.muli %arg1, %mul3A_44 : i32
    "tpu.region"() ({
      %run_scoped3A = tpu.sem_alloc : memref<!tpu.dma_semaphore, #tpu.memory_space<semaphore_mem>>
      %dma_start3A_107 = arith.constant 0 : i32
      %dma_start3A_108 = arith.constant 0 : i32
      %dma_start3A_109 = tpu.memref_slice %arg9[%dma_start3A_107, %dma_start3A_108] : memref<112x128xf32, #tpu.memory_space<vmem>> -> memref<64x128xf32, #tpu.memory_space<vmem>>
      %dma_start3A_110 = arith.constant 0 : i32
      %dma_start3A_111 = tpu.memref_slice %arg14[%mul3A_45, %dma_start3A_110] : memref<1024x128xf32, #tpu.memory_space<vmem_shared>> -> memref<64x128xf32, #tpu.memory_space<vmem_shared>>
      %dma_start3A_112 = arith.constant 0 : i32
      %dma_start3A_113 = tpu.memref_slice %arg14[%mul3A_45, %dma_start3A_112] : memref<1024x128xf32, #tpu.memory_space<vmem_shared>> -> memref<64x128xf32, #tpu.memory_space<vmem_shared>>
      %dma_start3A_114 = arith.constant 0 : i32
      %dma_start3A_115 = arith.constant 0 : i32
      %dma_start3A_116 = tpu.memref_slice %arg9[%dma_start3A_114, %dma_start3A_115] : memref<112x128xf32, #tpu.memory_space<vmem>> -> memref<64x128xf32, #tpu.memory_space<vmem>>
      tpu.enqueue_dma source(%dma_start3A_116 : memref<64x128xf32, #tpu.memory_space<vmem>>) target(%dma_start3A_113 : memref<64x128xf32, #tpu.memory_space<vmem_shared>>) target_semaphore(%run_scoped3A : memref<!tpu.dma_semaphore, #tpu.memory_space<semaphore_mem>>)
      %dma_wait3A_117 = arith.constant 0 : i32
      %dma_wait3A_118 = arith.constant 0 : i32
      %dma_wait3A_119 = tpu.memref_slice %arg9[%dma_wait3A_117, %dma_wait3A_118] : memref<112x128xf32, #tpu.memory_space<vmem>> -> memref<64x128xf32, #tpu.memory_space<vmem>>
      %dma_wait3A_120 = arith.constant 0 : i32
      %dma_wait3A_121 = tpu.memref_slice %arg14[%mul3A_45, %dma_wait3A_120] : memref<1024x128xf32, #tpu.memory_space<vmem_shared>> -> memref<64x128xf32, #tpu.memory_space<vmem_shared>>
      %dma_wait3A_122 = arith.constant 0 : i32
      %dma_wait3A_123 = tpu.memref_slice %arg14[%mul3A_45, %dma_wait3A_122] : memref<1024x128xf32, #tpu.memory_space<vmem_shared>> -> memref<64x128xf32, #tpu.memory_space<vmem_shared>>
      %dma_wait3A_124 = arith.constant 0 : i32
      %dma_wait3A_125 = arith.constant 0 : i32
      %dma_wait3A_126 = tpu.memref_slice %arg9[%dma_wait3A_124, %dma_wait3A_125] : memref<112x128xf32, #tpu.memory_space<vmem>> -> memref<64x128xf32, #tpu.memory_space<vmem>>
      tpu.wait_dma2 semaphore(%run_scoped3A : memref<!tpu.dma_semaphore, #tpu.memory_space<semaphore_mem>>) src(%dma_wait3A_126 : memref<64x128xf32, #tpu.memory_space<vmem>>) dst(%dma_wait3A_123 : memref<64x128xf32, #tpu.memory_space<vmem_shared>>)
      tpu.yield
    }) : () -> ()
    %barrier3A = arith.constant 0 : index
    tpu.barrier barrier_id(%barrier3A)
    %get3A = arith.constant 0 : index
    %get3A_46 = tpu.vector_load %arg12[%get3A] {strides = array<i32>} : memref<128xf32, #tpu.memory_space<vmem>>, vector<16xf32>,
    %get3A_47 = vector.shape_cast %get3A_46 : vector<16xf32> to vector<16xf32>
    %get3A_48 = arith.constant 16 : index
    %get3A_49 = tpu.vector_load %arg12[%get3A_48] {strides = array<i32>} : memref<128xf32, #tpu.memory_space<vmem>>, vector<16xf32>,
    %get3A_50 = vector.shape_cast %get3A_49 : vector<16xf32> to vector<16xf32>
    %get3A_51 = arith.constant 32 : index
    %get3A_52 = tpu.vector_load %arg12[%get3A_51] {strides = array<i32>} : memref<128xf32, #tpu.memory_space<vmem>>, vector<16xf32>,
    %get3A_53 = vector.shape_cast %get3A_52 : vector<16xf32> to vector<16xf32>
    %get3A_54 = arith.constant 48 : index
    %get3A_55 = tpu.vector_load %arg12[%get3A_54] {strides = array<i32>} : memref<128xf32, #tpu.memory_space<vmem>>, vector<16xf32>,
    %get3A_56 = vector.shape_cast %get3A_55 : vector<16xf32> to vector<16xf32>
    %get3A_57 = arith.constant 64 : index
    %get3A_58 = tpu.vector_load %arg12[%get3A_57] {strides = array<i32>} : memref<128xf32, #tpu.memory_space<vmem>>, vector<16xf32>,
    %get3A_59 = vector.shape_cast %get3A_58 : vector<16xf32> to vector<16xf32>
    %get3A_60 = arith.constant 80 : index
    %get3A_61 = tpu.vector_load %arg12[%get3A_60] {strides = array<i32>} : memref<128xf32, #tpu.memory_space<vmem>>, vector<16xf32>,
    %get3A_62 = vector.shape_cast %get3A_61 : vector<16xf32> to vector<16xf32>
    %get3A_63 = arith.constant 96 : index
    %get3A_64 = tpu.vector_load %arg12[%get3A_63] {strides = array<i32>} : memref<128xf32, #tpu.memory_space<vmem>>, vector<16xf32>,
    %get3A_65 = vector.shape_cast %get3A_64 : vector<16xf32> to vector<16xf32>
    %get3A_66 = arith.constant 112 : index
    %get3A_67 = tpu.vector_load %arg12[%get3A_66] {strides = array<i32>} : memref<128xf32, #tpu.memory_space<vmem>>, vector<16xf32>,
    %get3A_68 = vector.shape_cast %get3A_67 : vector<16xf32> to vector<16xf32>
    %get3A_69 = arith.constant 0 : index
    %get3A_70 = tpu.vector_load %arg13[%get3A_69] {strides = array<i32>} : memref<16xf32, #tpu.memory_space<vmem>>, vector<16xf32>,
    %get3A_71 = vector.shape_cast %get3A_70 : vector<16xf32> to vector<16xf32>
    %add3A_72 = arith.constant 0 : i32
    %add3A_73 = arith.addi %min3A_25, %add3A_72 : i32
    %dma_start3A = arith.constant 0 : i32
    %dma_start3A_74 = tpu.memref_slice %arg2[%add3A_73, %dma_start3A] : memref<100000x128xf32, #tpu.memory_space<hbm>> -> memref<112x128xf32, #tpu.memory_space<hbm>>
    %dma_start3A_75 = arith.constant 0 : i32
    %dma_start3A_76 = tpu.memref_slice %arg2[%add3A_73, %dma_start3A_75] : memref<100000x128xf32, #tpu.memory_space<hbm>> -> memref<112x128xf32, #tpu.memory_space<hbm>>
    tpu.enqueue_dma source(%dma_start3A_76 : memref<112x128xf32, #tpu.memory_space<hbm>>) target(%arg7 : memref<112x128xf32, #tpu.memory_space<vmem>>) target_semaphore(%arg15 : memref<!tpu.dma_semaphore, #tpu.memory_space<semaphore_mem>>)
    %add3A_77 = arith.constant 112 : i32
    %add3A_78 = arith.addi %min3A_25, %add3A_77 : i32
    %dma_start3A_79 = arith.constant 0 : i32
    %dma_start3A_80 = tpu.memref_slice %arg2[%add3A_78, %dma_start3A_79] : memref<100000x128xf32, #tpu.memory_space<hbm>> -> memref<112x128xf32, #tpu.memory_space<hbm>>
    %dma_start3A_81 = arith.constant 0 : i32
    %dma_start3A_82 = tpu.memref_slice %arg2[%add3A_78, %dma_start3A_81] : memref<100000x128xf32, #tpu.memory_space<hbm>> -> memref<112x128xf32, #tpu.memory_space<hbm>>
    tpu.enqueue_dma source(%dma_start3A_82 : memref<112x128xf32, #tpu.memory_space<hbm>>) target(%arg8 : memref<112x128xf32, #tpu.memory_space<vmem>>) target_semaphore(%arg16 : memref<!tpu.dma_semaphore, #tpu.memory_space<semaphore_mem>>)
    %scan3A_83 = arith.constant 0 : i32
    %scan3A_84 = arith.constant 0 : i32
    %scan3A_85 = arith.constant 9 : i32
    %scan3A_86 = arith.addi %scan3A_84, %scan3A_85 : i32
    %scan3A_87 = arith.constant 1 : i32
    scf.for %scan3A_107 = %scan3A_84 to %scan3A_86 step %scan3A_87  : i32 {
      %mul3A_108 = arith.constant 2 : i32
      %mul3A_109 = arith.muli %mul3A_108, %scan3A_107 : i32
      %add3A_110 = arith.constant 0 : i32
      %add3A_111 = arith.addi %mul3A_109, %add3A_110 : i32
      %mul3A_112 = arith.constant 112 : i32
      %mul3A_113 = arith.muli %add3A_111, %mul3A_112 : i32
      %add3A_114 = arith.addi %min3A_25, %mul3A_113 : i32
      %dma_wait3A_115 = arith.constant 0 : i32
      %dma_wait3A_116 = tpu.memref_slice %arg2[%add3A_114, %dma_wait3A_115] : memref<100000x128xf32, #tpu.memory_space<hbm>> -> memref<112x128xf32, #tpu.memory_space<hbm>>
      %dma_wait3A_117 = arith.constant 0 : i32
      %dma_wait3A_118 = tpu.memref_slice %arg2[%add3A_114, %dma_wait3A_117] : memref<100000x128xf32, #tpu.memory_space<hbm>> -> memref<112x128xf32, #tpu.memory_space<hbm>>
      tpu.wait_dma2 semaphore(%arg15 : memref<!tpu.dma_semaphore, #tpu.memory_space<semaphore_mem>>) src(%dma_wait3A_118 : memref<112x128xf32, #tpu.memory_space<hbm>>) dst(%arg7 : memref<112x128xf32, #tpu.memory_space<vmem>>)
      %ge3A = arith.constant 2 : i32
      %ge3A_119 = arith.cmpi sge, %add3A_111, %ge3A : i32
      %convert_element_type3A = arith.extui %ge3A_119 : i1 to i32
      %cond3A = arith.constant 0 : i32
      %cond3A_120 = arith.cmpi ne, %convert_element_type3A, %cond3A : i32
      scf.if %cond3A_120 {
        %sub3A_167 = arith.constant 2 : i32
        %sub3A_168 = arith.subi %add3A_111, %sub3A_167 : i32
        %dma_wait3A_169 = arith.constant 0 : i32
        %dma_wait3A_170 = tpu.memref_slice %arg11[%sub3A_168, %dma_wait3A_169] : memref<18x112xi32, #tpu.memory_space<vmem>> -> memref<1x112xi32, #tpu.memory_space<vmem>>
        %dma_wait3A_171 = tpu.memref_squeeze %dma_wait3A_170 : memref<1x112xi32, #tpu.memory_space<vmem>> -> memref<112xi32, #tpu.memory_space<vmem>>
        %dma_wait3A_172 = arith.constant 0 : i32
        %dma_wait3A_173 = arith.constant 0 : i32
        %dma_wait3A_174 = tpu.memref_slice %arg14[%dma_wait3A_172, %dma_wait3A_173] : memref<1024x128xf32, #tpu.memory_space<vmem_shared>> -> memref<1024x128xf32, #tpu.memory_space<vmem_shared>>
        tpu.wait_indirect_dma semaphore(%arg17 : memref<!tpu.dma_semaphore, #tpu.memory_space<semaphore_mem>>) src(%arg9 : memref<112x128xf32, #tpu.memory_space<vmem>>) dst(%dma_wait3A_174 : memref<1024x128xf32, #tpu.memory_space<vmem_shared>>)
      } else {
      }
      %parallel_loop3A = arith.constant 0 : i32
      %parallel_loop3A_121 = arith.constant 112 : i32
      %parallel_loop3A_122 = arith.constant 1 : i32
      scf.for %parallel_loop3A_167 = %parallel_loop3A to %parallel_loop3A_121 step %parallel_loop3A_122  : i32 {
        %parallel_loop3A_168 = arith.constant 112 : i32
        %parallel_loop3A_169 = arith.muli %add3A_111, %parallel_loop3A_168 : i32
        %parallel_loop3A_170 = arith.addi %min3A_25, %parallel_loop3A_169 : i32
        %parallel_loop3A_171 = arith.addi %parallel_loop3A_170, %parallel_loop3A_167 : i32
        %parallel_loop3A_172 = arith.cmpi sge, %parallel_loop3A_171, %add3A_4 : i32
        %parallel_loop3A_173 = arith.cmpi slt, %parallel_loop3A_171, %add3A_6 : i32
        %parallel_loop3A_174 = arith.andi %parallel_loop3A_172, %parallel_loop3A_173 : i1
        %parallel_loop3A_175 = arith.index_cast %parallel_loop3A_167 : i32 to index
        %parallel_loop3A_176 = arith.constant 0 : index
        %parallel_loop3A_177 = tpu.vector_load %arg7[%parallel_loop3A_175, %parallel_loop3A_176] {strides = array<i32>} : memref<112x128xf32, #tpu.memory_space<vmem>>, vector<1x16xf32>,
        %parallel_loop3A_178 = vector.shape_cast %parallel_loop3A_177 : vector<1x16xf32> to vector<16xf32>
        %parallel_loop3A_179 = arith.index_cast %parallel_loop3A_167 : i32 to index
        %parallel_loop3A_180 = arith.constant 16 : index
        %parallel_loop3A_181 = tpu.vector_load %arg7[%parallel_loop3A_179, %parallel_loop3A_180] {strides = array<i32>} : memref<112x128xf32, #tpu.memory_space<vmem>>, vector<1x16xf32>,
        %parallel_loop3A_182 = vector.shape_cast %parallel_loop3A_181 : vector<1x16xf32> to vector<16xf32>
        %parallel_loop3A_183 = arith.index_cast %parallel_loop3A_167 : i32 to index
        %parallel_loop3A_184 = arith.constant 32 : index
        %parallel_loop3A_185 = tpu.vector_load %arg7[%parallel_loop3A_183, %parallel_loop3A_184] {strides = array<i32>} : memref<112x128xf32, #tpu.memory_space<vmem>>, vector<1x16xf32>,
        %parallel_loop3A_186 = vector.shape_cast %parallel_loop3A_185 : vector<1x16xf32> to vector<16xf32>
        %parallel_loop3A_187 = arith.index_cast %parallel_loop3A_167 : i32 to index
        %parallel_loop3A_188 = arith.constant 48 : index
        %parallel_loop3A_189 = tpu.vector_load %arg7[%parallel_loop3A_187, %parallel_loop3A_188] {strides = array<i32>} : memref<112x128xf32, #tpu.memory_space<vmem>>, vector<1x16xf32>,
        %parallel_loop3A_190 = vector.shape_cast %parallel_loop3A_189 : vector<1x16xf32> to vector<16xf32>
        %parallel_loop3A_191 = arith.index_cast %parallel_loop3A_167 : i32 to index
        %parallel_loop3A_192 = arith.constant 64 : index
        %parallel_loop3A_193 = tpu.vector_load %arg7[%parallel_loop3A_191, %parallel_loop3A_192] {strides = array<i32>} : memref<112x128xf32, #tpu.memory_space<vmem>>, vector<1x16xf32>,
        %parallel_loop3A_194 = vector.shape_cast %parallel_loop3A_193 : vector<1x16xf32> to vector<16xf32>
        %parallel_loop3A_195 = arith.index_cast %parallel_loop3A_167 : i32 to index
        %parallel_loop3A_196 = arith.constant 80 : index
        %parallel_loop3A_197 = tpu.vector_load %arg7[%parallel_loop3A_195, %parallel_loop3A_196] {strides = array<i32>} : memref<112x128xf32, #tpu.memory_space<vmem>>, vector<1x16xf32>,
        %parallel_loop3A_198 = vector.shape_cast %parallel_loop3A_197 : vector<1x16xf32> to vector<16xf32>
        %parallel_loop3A_199 = arith.index_cast %parallel_loop3A_167 : i32 to index
        %parallel_loop3A_200 = arith.constant 96 : index
        %parallel_loop3A_201 = tpu.vector_load %arg7[%parallel_loop3A_199, %parallel_loop3A_200] {strides = array<i32>} : memref<112x128xf32, #tpu.memory_space<vmem>>, vector<1x16xf32>,
        %parallel_loop3A_202 = vector.shape_cast %parallel_loop3A_201 : vector<1x16xf32> to vector<16xf32>
        %parallel_loop3A_203 = arith.index_cast %parallel_loop3A_167 : i32 to index
        %parallel_loop3A_204 = arith.constant 112 : index
        %parallel_loop3A_205 = tpu.vector_load %arg7[%parallel_loop3A_203, %parallel_loop3A_204] {strides = array<i32>} : memref<112x128xf32, #tpu.memory_space<vmem>>, vector<1x16xf32>,
        %parallel_loop3A_206 = vector.shape_cast %parallel_loop3A_205 : vector<1x16xf32> to vector<16xf32>
        %parallel_loop3A_207 = arith.mulf %parallel_loop3A_178, %get3A_47 : vector<16xf32>
        %parallel_loop3A_208 = arith.mulf %parallel_loop3A_182, %get3A_50 : vector<16xf32>
        %parallel_loop3A_209 = arith.addf %parallel_loop3A_207, %parallel_loop3A_208 : vector<16xf32>
        %parallel_loop3A_210 = arith.mulf %parallel_loop3A_186, %get3A_53 : vector<16xf32>
        %parallel_loop3A_211 = arith.addf %parallel_loop3A_209, %parallel_loop3A_210 : vector<16xf32>
        %parallel_loop3A_212 = arith.mulf %parallel_loop3A_190, %get3A_56 : vector<16xf32>
        %parallel_loop3A_213 = arith.addf %parallel_loop3A_211, %parallel_loop3A_212 : vector<16xf32>
        %parallel_loop3A_214 = arith.mulf %parallel_loop3A_194, %get3A_59 : vector<16xf32>
        %parallel_loop3A_215 = arith.addf %parallel_loop3A_213, %parallel_loop3A_214 : vector<16xf32>
        %parallel_loop3A_216 = arith.mulf %parallel_loop3A_198, %get3A_62 : vector<16xf32>
        %parallel_loop3A_217 = arith.addf %parallel_loop3A_215, %parallel_loop3A_216 : vector<16xf32>
        %parallel_loop3A_218 = arith.mulf %parallel_loop3A_202, %get3A_65 : vector<16xf32>
        %parallel_loop3A_219 = arith.addf %parallel_loop3A_217, %parallel_loop3A_218 : vector<16xf32>
        %parallel_loop3A_220 = arith.mulf %parallel_loop3A_206, %get3A_68 : vector<16xf32>
        %parallel_loop3A_221 = arith.addf %parallel_loop3A_219, %parallel_loop3A_220 : vector<16xf32>
        %parallel_loop3A_222 = tpu.iota {dimensions = array<i32: 0>} : vector<16xi32>
        %parallel_loop3A_223 = arith.constant 1 : i32
        %parallel_loop3A_224 = vector.broadcast %parallel_loop3A_223 : i32 to vector<16xi32>
        %parallel_loop3A_225 = arith.xori %parallel_loop3A_222, %parallel_loop3A_224 : vector<16xi32>
        %parallel_loop3A_226 = vector.shape_cast %parallel_loop3A_225 : vector<16xi32> to vector<16x1xi32>
        %parallel_loop3A_227 = vector.shape_cast %parallel_loop3A_226 : vector<16x1xi32> to vector<16xi32>
        %parallel_loop3A_228 = tpu.dynamic_gather %parallel_loop3A_221[%parallel_loop3A_227] in [0] : vector<16xf32>, vector<16xi32> -> vector<16xf32>
        %parallel_loop3A_229 = arith.addf %parallel_loop3A_221, %parallel_loop3A_228 : vector<16xf32>
        %parallel_loop3A_230 = arith.constant 2 : i32
        %parallel_loop3A_231 = vector.broadcast %parallel_loop3A_230 : i32 to vector<16xi32>
        %parallel_loop3A_232 = arith.xori %parallel_loop3A_222, %parallel_loop3A_231 : vector<16xi32>
        %parallel_loop3A_233 = vector.shape_cast %parallel_loop3A_232 : vector<16xi32> to vector<16x1xi32>
        %parallel_loop3A_234 = vector.shape_cast %parallel_loop3A_233 : vector<16x1xi32> to vector<16xi32>
        %parallel_loop3A_235 = tpu.dynamic_gather %parallel_loop3A_229[%parallel_loop3A_234] in [0] : vector<16xf32>, vector<16xi32> -> vector<16xf32>
        %parallel_loop3A_236 = arith.addf %parallel_loop3A_229, %parallel_loop3A_235 : vector<16xf32>
        %parallel_loop3A_237 = arith.constant 4 : i32
        %parallel_loop3A_238 = vector.broadcast %parallel_loop3A_237 : i32 to vector<16xi32>
        %parallel_loop3A_239 = arith.xori %parallel_loop3A_222, %parallel_loop3A_238 : vector<16xi32>
        %parallel_loop3A_240 = vector.shape_cast %parallel_loop3A_239 : vector<16xi32> to vector<16x1xi32>
        %parallel_loop3A_241 = vector.shape_cast %parallel_loop3A_240 : vector<16x1xi32> to vector<16xi32>
        %parallel_loop3A_242 = tpu.dynamic_gather %parallel_loop3A_236[%parallel_loop3A_241] in [0] : vector<16xf32>, vector<16xi32> -> vector<16xf32>
        %parallel_loop3A_243 = arith.addf %parallel_loop3A_236, %parallel_loop3A_242 : vector<16xf32>
        %parallel_loop3A_244 = arith.constant 8 : i32
        %parallel_loop3A_245 = vector.broadcast %parallel_loop3A_244 : i32 to vector<16xi32>
        %parallel_loop3A_246 = arith.xori %parallel_loop3A_222, %parallel_loop3A_245 : vector<16xi32>
        %parallel_loop3A_247 = vector.shape_cast %parallel_loop3A_246 : vector<16xi32> to vector<16x1xi32>
        %parallel_loop3A_248 = vector.shape_cast %parallel_loop3A_247 : vector<16x1xi32> to vector<16xi32>
        %parallel_loop3A_249 = tpu.dynamic_gather %parallel_loop3A_243[%parallel_loop3A_248] in [0] : vector<16xf32>, vector<16xi32> -> vector<16xf32>
        %parallel_loop3A_250 = arith.addf %parallel_loop3A_243, %parallel_loop3A_249 : vector<16xf32>
        %parallel_loop3A_251 = arith.addf %parallel_loop3A_250, %get3A_71 : vector<16xf32>
        %parallel_loop3A_252 = arith.constant 1.000000e+00 : f32
        %parallel_loop3A_253 = arith.constant 0.000000e+00 : f32
        %parallel_loop3A_254 = arith.select %parallel_loop3A_174, %parallel_loop3A_252, %parallel_loop3A_253 : f32
        %parallel_loop3A_255 = vector.broadcast %parallel_loop3A_254 : f32 to vector<16xf32>
        %parallel_loop3A_256 = arith.constant 0.000000e+00 : f32
        %parallel_loop3A_257 = vector.broadcast %parallel_loop3A_256 : f32 to vector<16xf32>
        %parallel_loop3A_258 = arith.subf %parallel_loop3A_257, %parallel_loop3A_251 : vector<16xf32>
        %parallel_loop3A_259 = math.exp %parallel_loop3A_258 : vector<16xf32>
        %parallel_loop3A_260 = arith.constant 1.000000e+00 : f32
        %parallel_loop3A_261 = vector.broadcast %parallel_loop3A_260 : f32 to vector<16xf32>
        %parallel_loop3A_262 = arith.addf %parallel_loop3A_261, %parallel_loop3A_259 : vector<16xf32>
        %parallel_loop3A_263 = arith.divf %parallel_loop3A_255, %parallel_loop3A_262 : vector<16xf32>
        %parallel_loop3A_264 = arith.mulf %parallel_loop3A_178, %parallel_loop3A_263 : vector<16xf32>
        %parallel_loop3A_265 = arith.index_cast %parallel_loop3A_167 : i32 to index
        %parallel_loop3A_266 = arith.constant 0 : index
        %parallel_loop3A_267 = tpu.vector_load %arg9[%parallel_loop3A_265, %parallel_loop3A_266] {strides = array<i32>} : memref<112x128xf32, #tpu.memory_space<vmem>>, vector<1x16xf32>,
        %parallel_loop3A_268 = vector.shape_cast %parallel_loop3A_267 : vector<1x16xf32> to vector<16xf32>
        %parallel_loop3A_269 = vector.shape_cast %parallel_loop3A_264 : vector<16xf32> to vector<1x16xf32>
        tpu.vector_store %arg9[%parallel_loop3A_265, %parallel_loop3A_266], %parallel_loop3A_269 {strides = array<i32>} : memref<112x128xf32, #tpu.memory_space<vmem>>, vector<1x16xf32>,
        %parallel_loop3A_270 = arith.mulf %parallel_loop3A_182, %parallel_loop3A_263 : vector<16xf32>
        %parallel_loop3A_271 = arith.index_cast %parallel_loop3A_167 : i32 to index
        %parallel_loop3A_272 = arith.constant 16 : index
        %parallel_loop3A_273 = tpu.vector_load %arg9[%parallel_loop3A_271, %parallel_loop3A_272] {strides = array<i32>} : memref<112x128xf32, #tpu.memory_space<vmem>>, vector<1x16xf32>,
        %parallel_loop3A_274 = vector.shape_cast %parallel_loop3A_273 : vector<1x16xf32> to vector<16xf32>
        %parallel_loop3A_275 = vector.shape_cast %parallel_loop3A_270 : vector<16xf32> to vector<1x16xf32>
        tpu.vector_store %arg9[%parallel_loop3A_271, %parallel_loop3A_272], %parallel_loop3A_275 {strides = array<i32>} : memref<112x128xf32, #tpu.memory_space<vmem>>, vector<1x16xf32>,
        %parallel_loop3A_276 = arith.mulf %parallel_loop3A_186, %parallel_loop3A_263 : vector<16xf32>
        %parallel_loop3A_277 = arith.index_cast %parallel_loop3A_167 : i32 to index
        %parallel_loop3A_278 = arith.constant 32 : index
        %parallel_loop3A_279 = tpu.vector_load %arg9[%parallel_loop3A_277, %parallel_loop3A_278] {strides = array<i32>} : memref<112x128xf32, #tpu.memory_space<vmem>>, vector<1x16xf32>,
        %parallel_loop3A_280 = vector.shape_cast %parallel_loop3A_279 : vector<1x16xf32> to vector<16xf32>
        %parallel_loop3A_281 = vector.shape_cast %parallel_loop3A_276 : vector<16xf32> to vector<1x16xf32>
        tpu.vector_store %arg9[%parallel_loop3A_277, %parallel_loop3A_278], %parallel_loop3A_281 {strides = array<i32>} : memref<112x128xf32, #tpu.memory_space<vmem>>, vector<1x16xf32>,
        %parallel_loop3A_282 = arith.mulf %parallel_loop3A_190, %parallel_loop3A_263 : vector<16xf32>
        %parallel_loop3A_283 = arith.index_cast %parallel_loop3A_167 : i32 to index
        %parallel_loop3A_284 = arith.constant 48 : index
        %parallel_loop3A_285 = tpu.vector_load %arg9[%parallel_loop3A_283, %parallel_loop3A_284] {strides = array<i32>} : memref<112x128xf32, #tpu.memory_space<vmem>>, vector<1x16xf32>,
        %parallel_loop3A_286 = vector.shape_cast %parallel_loop3A_285 : vector<1x16xf32> to vector<16xf32>
        %parallel_loop3A_287 = vector.shape_cast %parallel_loop3A_282 : vector<16xf32> to vector<1x16xf32>
        tpu.vector_store %arg9[%parallel_loop3A_283, %parallel_loop3A_284], %parallel_loop3A_287 {strides = array<i32>} : memref<112x128xf32, #tpu.memory_space<vmem>>, vector<1x16xf32>,
        %parallel_loop3A_288 = arith.mulf %parallel_loop3A_194, %parallel_loop3A_263 : vector<16xf32>
        %parallel_loop3A_289 = arith.index_cast %parallel_loop3A_167 : i32 to index
        %parallel_loop3A_290 = arith.constant 64 : index
        %parallel_loop3A_291 = tpu.vector_load %arg9[%parallel_loop3A_289, %parallel_loop3A_290] {strides = array<i32>} : memref<112x128xf32, #tpu.memory_space<vmem>>, vector<1x16xf32>,
        %parallel_loop3A_292 = vector.shape_cast %parallel_loop3A_291 : vector<1x16xf32> to vector<16xf32>
        %parallel_loop3A_293 = vector.shape_cast %parallel_loop3A_288 : vector<16xf32> to vector<1x16xf32>
        tpu.vector_store %arg9[%parallel_loop3A_289, %parallel_loop3A_290], %parallel_loop3A_293 {strides = array<i32>} : memref<112x128xf32, #tpu.memory_space<vmem>>, vector<1x16xf32>,
        %parallel_loop3A_294 = arith.mulf %parallel_loop3A_198, %parallel_loop3A_263 : vector<16xf32>
        %parallel_loop3A_295 = arith.index_cast %parallel_loop3A_167 : i32 to index
        %parallel_loop3A_296 = arith.constant 80 : index
        %parallel_loop3A_297 = tpu.vector_load %arg9[%parallel_loop3A_295, %parallel_loop3A_296] {strides = array<i32>} : memref<112x128xf32, #tpu.memory_space<vmem>>, vector<1x16xf32>,
        %parallel_loop3A_298 = vector.shape_cast %parallel_loop3A_297 : vector<1x16xf32> to vector<16xf32>
        %parallel_loop3A_299 = vector.shape_cast %parallel_loop3A_294 : vector<16xf32> to vector<1x16xf32>
        tpu.vector_store %arg9[%parallel_loop3A_295, %parallel_loop3A_296], %parallel_loop3A_299 {strides = array<i32>} : memref<112x128xf32, #tpu.memory_space<vmem>>, vector<1x16xf32>,
        %parallel_loop3A_300 = arith.mulf %parallel_loop3A_202, %parallel_loop3A_263 : vector<16xf32>
        %parallel_loop3A_301 = arith.index_cast %parallel_loop3A_167 : i32 to index
        %parallel_loop3A_302 = arith.constant 96 : index
        %parallel_loop3A_303 = tpu.vector_load %arg9[%parallel_loop3A_301, %parallel_loop3A_302] {strides = array<i32>} : memref<112x128xf32, #tpu.memory_space<vmem>>, vector<1x16xf32>,
        %parallel_loop3A_304 = vector.shape_cast %parallel_loop3A_303 : vector<1x16xf32> to vector<16xf32>
        %parallel_loop3A_305 = vector.shape_cast %parallel_loop3A_300 : vector<16xf32> to vector<1x16xf32>
        tpu.vector_store %arg9[%parallel_loop3A_301, %parallel_loop3A_302], %parallel_loop3A_305 {strides = array<i32>} : memref<112x128xf32, #tpu.memory_space<vmem>>, vector<1x16xf32>,
        %parallel_loop3A_306 = arith.mulf %parallel_loop3A_206, %parallel_loop3A_263 : vector<16xf32>
        %parallel_loop3A_307 = arith.index_cast %parallel_loop3A_167 : i32 to index
        %parallel_loop3A_308 = arith.constant 112 : index
        %parallel_loop3A_309 = tpu.vector_load %arg9[%parallel_loop3A_307, %parallel_loop3A_308] {strides = array<i32>} : memref<112x128xf32, #tpu.memory_space<vmem>>, vector<1x16xf32>,
        %parallel_loop3A_310 = vector.shape_cast %parallel_loop3A_309 : vector<1x16xf32> to vector<16xf32>
        %parallel_loop3A_311 = vector.shape_cast %parallel_loop3A_306 : vector<16xf32> to vector<1x16xf32>
        tpu.vector_store %arg9[%parallel_loop3A_307, %parallel_loop3A_308], %parallel_loop3A_311 {strides = array<i32>} : memref<112x128xf32, #tpu.memory_space<vmem>>, vector<1x16xf32>,
      } {sc.loop_unroll_factor = 2 : i64, sc.parallel_access}
      %add3A_123 = arith.constant 2 : i32
      %add3A_124 = arith.addi %add3A_111, %add3A_123 : i32
      %lt3A = arith.constant 18 : i32
      %lt3A_125 = arith.cmpi slt, %add3A_124, %lt3A : i32
      %convert_element_type3A_126 = arith.extui %lt3A_125 : i1 to i32
      %cond3A_127 = arith.constant 0 : i32
      %cond3A_128 = arith.cmpi ne, %convert_element_type3A_126, %cond3A_127 : i32
      scf.if %cond3A_128 {
        %add3A_167 = arith.constant 2 : i32
        %add3A_168 = arith.addi %add3A_111, %add3A_167 : i32
        %mul3A_169 = arith.constant 112 : i32
        %mul3A_170 = arith.muli %add3A_168, %mul3A_169 : i32
        %add3A_171 = arith.addi %min3A_25, %mul3A_170 : i32
        %dma_start3A_172 = arith.constant 0 : i32
        %dma_start3A_173 = tpu.memref_slice %arg2[%add3A_171, %dma_start3A_172] : memref<100000x128xf32, #tpu.memory_space<hbm>> -> memref<112x128xf32, #tpu.memory_space<hbm>>
        %dma_start3A_174 = arith.constant 0 : i32
        %dma_start3A_175 = tpu.memref_slice %arg2[%add3A_171, %dma_start3A_174] : memref<100000x128xf32, #tpu.memory_space<hbm>> -> memref<112x128xf32, #tpu.memory_space<hbm>>
        tpu.enqueue_dma source(%dma_start3A_175 : memref<112x128xf32, #tpu.memory_space<hbm>>) target(%arg7 : memref<112x128xf32, #tpu.memory_space<vmem>>) target_semaphore(%arg15 : memref<!tpu.dma_semaphore, #tpu.memory_space<semaphore_mem>>)
      } else {
      }
      %dma_start3A_129 = arith.constant 0 : i32
      %dma_start3A_130 = tpu.memref_slice %arg11[%add3A_111, %dma_start3A_129] : memref<18x112xi32, #tpu.memory_space<vmem>> -> memref<1x112xi32, #tpu.memory_space<vmem>>
      %dma_start3A_131 = tpu.memref_squeeze %dma_start3A_130 : memref<1x112xi32, #tpu.memory_space<vmem>> -> memref<112xi32, #tpu.memory_space<vmem>>
      %dma_start3A_132 = arith.constant 0 : i32
      %dma_start3A_133 = arith.constant 0 : i32
      %dma_start3A_134 = tpu.memref_slice %arg14[%dma_start3A_132, %dma_start3A_133] : memref<1024x128xf32, #tpu.memory_space<vmem_shared>> -> memref<1024x128xf32, #tpu.memory_space<vmem_shared>>
      tpu.enqueue_indirect_dma source(%arg9 : memref<112x128xf32, #tpu.memory_space<vmem>>) target(%dma_start3A_134 : memref<1024x128xf32, #tpu.memory_space<vmem_shared>>) offsets(%dma_start3A_131 : memref<112xi32, #tpu.memory_space<vmem>>) semaphore(%arg17 : memref<!tpu.dma_semaphore, #tpu.memory_space<semaphore_mem>>) {add = true}
      %mul3A_135 = arith.constant 2 : i32
      %mul3A_136 = arith.muli %mul3A_135, %scan3A_107 : i32
      %add3A_137 = arith.constant 1 : i32
      %add3A_138 = arith.addi %mul3A_136, %add3A_137 : i32
      %mul3A_139 = arith.constant 112 : i32
      %mul3A_140 = arith.muli %add3A_138, %mul3A_139 : i32
      %add3A_141 = arith.addi %min3A_25, %mul3A_140 : i32
      %dma_wait3A_142 = arith.constant 0 : i32
      %dma_wait3A_143 = tpu.memref_slice %arg2[%add3A_141, %dma_wait3A_142] : memref<100000x128xf32, #tpu.memory_space<hbm>> -> memref<112x128xf32, #tpu.memory_space<hbm>>
      %dma_wait3A_144 = arith.constant 0 : i32
      %dma_wait3A_145 = tpu.memref_slice %arg2[%add3A_141, %dma_wait3A_144] : memref<100000x128xf32, #tpu.memory_space<hbm>> -> memref<112x128xf32, #tpu.memory_space<hbm>>
      tpu.wait_dma2 semaphore(%arg16 : memref<!tpu.dma_semaphore, #tpu.memory_space<semaphore_mem>>) src(%dma_wait3A_145 : memref<112x128xf32, #tpu.memory_space<hbm>>) dst(%arg8 : memref<112x128xf32, #tpu.memory_space<vmem>>)
      %ge3A_146 = arith.constant 2 : i32
      %ge3A_147 = arith.cmpi sge, %add3A_138, %ge3A_146 : i32
      %convert_element_type3A_148 = arith.extui %ge3A_147 : i1 to i32
      %cond3A_149 = arith.constant 0 : i32
      %cond3A_150 = arith.cmpi ne, %convert_element_type3A_148, %cond3A_149 : i32
      scf.if %cond3A_150 {
        %sub3A_167 = arith.constant 2 : i32
        %sub3A_168 = arith.subi %add3A_138, %sub3A_167 : i32
        %dma_wait3A_169 = arith.constant 0 : i32
        %dma_wait3A_170 = tpu.memref_slice %arg11[%sub3A_168, %dma_wait3A_169] : memref<18x112xi32, #tpu.memory_space<vmem>> -> memref<1x112xi32, #tpu.memory_space<vmem>>
        %dma_wait3A_171 = tpu.memref_squeeze %dma_wait3A_170 : memref<1x112xi32, #tpu.memory_space<vmem>> -> memref<112xi32, #tpu.memory_space<vmem>>
        %dma_wait3A_172 = arith.constant 0 : i32
        %dma_wait3A_173 = arith.constant 0 : i32
        %dma_wait3A_174 = tpu.memref_slice %arg14[%dma_wait3A_172, %dma_wait3A_173] : memref<1024x128xf32, #tpu.memory_space<vmem_shared>> -> memref<1024x128xf32, #tpu.memory_space<vmem_shared>>
        tpu.wait_indirect_dma semaphore(%arg18 : memref<!tpu.dma_semaphore, #tpu.memory_space<semaphore_mem>>) src(%arg10 : memref<112x128xf32, #tpu.memory_space<vmem>>) dst(%dma_wait3A_174 : memref<1024x128xf32, #tpu.memory_space<vmem_shared>>)
      } else {
      }
      %parallel_loop3A_151 = arith.constant 0 : i32
      %parallel_loop3A_152 = arith.constant 112 : i32
      %parallel_loop3A_153 = arith.constant 1 : i32
      scf.for %parallel_loop3A_167 = %parallel_loop3A_151 to %parallel_loop3A_152 step %parallel_loop3A_153  : i32 {
        %parallel_loop3A_168 = arith.constant 112 : i32
        %parallel_loop3A_169 = arith.muli %add3A_138, %parallel_loop3A_168 : i32
        %parallel_loop3A_170 = arith.addi %min3A_25, %parallel_loop3A_169 : i32
        %parallel_loop3A_171 = arith.addi %parallel_loop3A_170, %parallel_loop3A_167 : i32
        %parallel_loop3A_172 = arith.cmpi sge, %parallel_loop3A_171, %add3A_4 : i32
        %parallel_loop3A_173 = arith.cmpi slt, %parallel_loop3A_171, %add3A_6 : i32
        %parallel_loop3A_174 = arith.andi %parallel_loop3A_172, %parallel_loop3A_173 : i1
        %parallel_loop3A_175 = arith.index_cast %parallel_loop3A_167 : i32 to index
        %parallel_loop3A_176 = arith.constant 0 : index
        %parallel_loop3A_177 = tpu.vector_load %arg8[%parallel_loop3A_175, %parallel_loop3A_176] {strides = array<i32>} : memref<112x128xf32, #tpu.memory_space<vmem>>, vector<1x16xf32>,
        %parallel_loop3A_178 = vector.shape_cast %parallel_loop3A_177 : vector<1x16xf32> to vector<16xf32>
        %parallel_loop3A_179 = arith.index_cast %parallel_loop3A_167 : i32 to index
        %parallel_loop3A_180 = arith.constant 16 : index
        %parallel_loop3A_181 = tpu.vector_load %arg8[%parallel_loop3A_179, %parallel_loop3A_180] {strides = array<i32>} : memref<112x128xf32, #tpu.memory_space<vmem>>, vector<1x16xf32>,
        %parallel_loop3A_182 = vector.shape_cast %parallel_loop3A_181 : vector<1x16xf32> to vector<16xf32>
        %parallel_loop3A_183 = arith.index_cast %parallel_loop3A_167 : i32 to index
        %parallel_loop3A_184 = arith.constant 32 : index
        %parallel_loop3A_185 = tpu.vector_load %arg8[%parallel_loop3A_183, %parallel_loop3A_184] {strides = array<i32>} : memref<112x128xf32, #tpu.memory_space<vmem>>, vector<1x16xf32>,
        %parallel_loop3A_186 = vector.shape_cast %parallel_loop3A_185 : vector<1x16xf32> to vector<16xf32>
        %parallel_loop3A_187 = arith.index_cast %parallel_loop3A_167 : i32 to index
        %parallel_loop3A_188 = arith.constant 48 : index
        %parallel_loop3A_189 = tpu.vector_load %arg8[%parallel_loop3A_187, %parallel_loop3A_188] {strides = array<i32>} : memref<112x128xf32, #tpu.memory_space<vmem>>, vector<1x16xf32>,
        %parallel_loop3A_190 = vector.shape_cast %parallel_loop3A_189 : vector<1x16xf32> to vector<16xf32>
        %parallel_loop3A_191 = arith.index_cast %parallel_loop3A_167 : i32 to index
        %parallel_loop3A_192 = arith.constant 64 : index
        %parallel_loop3A_193 = tpu.vector_load %arg8[%parallel_loop3A_191, %parallel_loop3A_192] {strides = array<i32>} : memref<112x128xf32, #tpu.memory_space<vmem>>, vector<1x16xf32>,
        %parallel_loop3A_194 = vector.shape_cast %parallel_loop3A_193 : vector<1x16xf32> to vector<16xf32>
        %parallel_loop3A_195 = arith.index_cast %parallel_loop3A_167 : i32 to index
        %parallel_loop3A_196 = arith.constant 80 : index
        %parallel_loop3A_197 = tpu.vector_load %arg8[%parallel_loop3A_195, %parallel_loop3A_196] {strides = array<i32>} : memref<112x128xf32, #tpu.memory_space<vmem>>, vector<1x16xf32>,
        %parallel_loop3A_198 = vector.shape_cast %parallel_loop3A_197 : vector<1x16xf32> to vector<16xf32>
        %parallel_loop3A_199 = arith.index_cast %parallel_loop3A_167 : i32 to index
        %parallel_loop3A_200 = arith.constant 96 : index
        %parallel_loop3A_201 = tpu.vector_load %arg8[%parallel_loop3A_199, %parallel_loop3A_200] {strides = array<i32>} : memref<112x128xf32, #tpu.memory_space<vmem>>, vector<1x16xf32>,
        %parallel_loop3A_202 = vector.shape_cast %parallel_loop3A_201 : vector<1x16xf32> to vector<16xf32>
        %parallel_loop3A_203 = arith.index_cast %parallel_loop3A_167 : i32 to index
        %parallel_loop3A_204 = arith.constant 112 : index
        %parallel_loop3A_205 = tpu.vector_load %arg8[%parallel_loop3A_203, %parallel_loop3A_204] {strides = array<i32>} : memref<112x128xf32, #tpu.memory_space<vmem>>, vector<1x16xf32>,
        %parallel_loop3A_206 = vector.shape_cast %parallel_loop3A_205 : vector<1x16xf32> to vector<16xf32>
        %parallel_loop3A_207 = arith.mulf %parallel_loop3A_178, %get3A_47 : vector<16xf32>
        %parallel_loop3A_208 = arith.mulf %parallel_loop3A_182, %get3A_50 : vector<16xf32>
        %parallel_loop3A_209 = arith.addf %parallel_loop3A_207, %parallel_loop3A_208 : vector<16xf32>
        %parallel_loop3A_210 = arith.mulf %parallel_loop3A_186, %get3A_53 : vector<16xf32>
        %parallel_loop3A_211 = arith.addf %parallel_loop3A_209, %parallel_loop3A_210 : vector<16xf32>
        %parallel_loop3A_212 = arith.mulf %parallel_loop3A_190, %get3A_56 : vector<16xf32>
        %parallel_loop3A_213 = arith.addf %parallel_loop3A_211, %parallel_loop3A_212 : vector<16xf32>
        %parallel_loop3A_214 = arith.mulf %parallel_loop3A_194, %get3A_59 : vector<16xf32>
        %parallel_loop3A_215 = arith.addf %parallel_loop3A_213, %parallel_loop3A_214 : vector<16xf32>
        %parallel_loop3A_216 = arith.mulf %parallel_loop3A_198, %get3A_62 : vector<16xf32>
        %parallel_loop3A_217 = arith.addf %parallel_loop3A_215, %parallel_loop3A_216 : vector<16xf32>
        %parallel_loop3A_218 = arith.mulf %parallel_loop3A_202, %get3A_65 : vector<16xf32>
        %parallel_loop3A_219 = arith.addf %parallel_loop3A_217, %parallel_loop3A_218 : vector<16xf32>
        %parallel_loop3A_220 = arith.mulf %parallel_loop3A_206, %get3A_68 : vector<16xf32>
        %parallel_loop3A_221 = arith.addf %parallel_loop3A_219, %parallel_loop3A_220 : vector<16xf32>
        %parallel_loop3A_222 = tpu.iota {dimensions = array<i32: 0>} : vector<16xi32>
        %parallel_loop3A_223 = arith.constant 1 : i32
        %parallel_loop3A_224 = vector.broadcast %parallel_loop3A_223 : i32 to vector<16xi32>
        %parallel_loop3A_225 = arith.xori %parallel_loop3A_222, %parallel_loop3A_224 : vector<16xi32>
        %parallel_loop3A_226 = vector.shape_cast %parallel_loop3A_225 : vector<16xi32> to vector<16x1xi32>
        %parallel_loop3A_227 = vector.shape_cast %parallel_loop3A_226 : vector<16x1xi32> to vector<16xi32>
        %parallel_loop3A_228 = tpu.dynamic_gather %parallel_loop3A_221[%parallel_loop3A_227] in [0] : vector<16xf32>, vector<16xi32> -> vector<16xf32>
        %parallel_loop3A_229 = arith.addf %parallel_loop3A_221, %parallel_loop3A_228 : vector<16xf32>
        %parallel_loop3A_230 = arith.constant 2 : i32
        %parallel_loop3A_231 = vector.broadcast %parallel_loop3A_230 : i32 to vector<16xi32>
        %parallel_loop3A_232 = arith.xori %parallel_loop3A_222, %parallel_loop3A_231 : vector<16xi32>
        %parallel_loop3A_233 = vector.shape_cast %parallel_loop3A_232 : vector<16xi32> to vector<16x1xi32>
        %parallel_loop3A_234 = vector.shape_cast %parallel_loop3A_233 : vector<16x1xi32> to vector<16xi32>
        %parallel_loop3A_235 = tpu.dynamic_gather %parallel_loop3A_229[%parallel_loop3A_234] in [0] : vector<16xf32>, vector<16xi32> -> vector<16xf32>
        %parallel_loop3A_236 = arith.addf %parallel_loop3A_229, %parallel_loop3A_235 : vector<16xf32>
        %parallel_loop3A_237 = arith.constant 4 : i32
        %parallel_loop3A_238 = vector.broadcast %parallel_loop3A_237 : i32 to vector<16xi32>
        %parallel_loop3A_239 = arith.xori %parallel_loop3A_222, %parallel_loop3A_238 : vector<16xi32>
        %parallel_loop3A_240 = vector.shape_cast %parallel_loop3A_239 : vector<16xi32> to vector<16x1xi32>
        %parallel_loop3A_241 = vector.shape_cast %parallel_loop3A_240 : vector<16x1xi32> to vector<16xi32>
        %parallel_loop3A_242 = tpu.dynamic_gather %parallel_loop3A_236[%parallel_loop3A_241] in [0] : vector<16xf32>, vector<16xi32> -> vector<16xf32>
        %parallel_loop3A_243 = arith.addf %parallel_loop3A_236, %parallel_loop3A_242 : vector<16xf32>
        %parallel_loop3A_244 = arith.constant 8 : i32
        %parallel_loop3A_245 = vector.broadcast %parallel_loop3A_244 : i32 to vector<16xi32>
        %parallel_loop3A_246 = arith.xori %parallel_loop3A_222, %parallel_loop3A_245 : vector<16xi32>
        %parallel_loop3A_247 = vector.shape_cast %parallel_loop3A_246 : vector<16xi32> to vector<16x1xi32>
        %parallel_loop3A_248 = vector.shape_cast %parallel_loop3A_247 : vector<16x1xi32> to vector<16xi32>
        %parallel_loop3A_249 = tpu.dynamic_gather %parallel_loop3A_243[%parallel_loop3A_248] in [0] : vector<16xf32>, vector<16xi32> -> vector<16xf32>
        %parallel_loop3A_250 = arith.addf %parallel_loop3A_243, %parallel_loop3A_249 : vector<16xf32>
        %parallel_loop3A_251 = arith.addf %parallel_loop3A_250, %get3A_71 : vector<16xf32>
        %parallel_loop3A_252 = arith.constant 1.000000e+00 : f32
        %parallel_loop3A_253 = arith.constant 0.000000e+00 : f32
        %parallel_loop3A_254 = arith.select %parallel_loop3A_174, %parallel_loop3A_252, %parallel_loop3A_253 : f32
        %parallel_loop3A_255 = vector.broadcast %parallel_loop3A_254 : f32 to vector<16xf32>
        %parallel_loop3A_256 = arith.constant 0.000000e+00 : f32
        %parallel_loop3A_257 = vector.broadcast %parallel_loop3A_256 : f32 to vector<16xf32>
        %parallel_loop3A_258 = arith.subf %parallel_loop3A_257, %parallel_loop3A_251 : vector<16xf32>
        %parallel_loop3A_259 = math.exp %parallel_loop3A_258 : vector<16xf32>
        %parallel_loop3A_260 = arith.constant 1.000000e+00 : f32
        %parallel_loop3A_261 = vector.broadcast %parallel_loop3A_260 : f32 to vector<16xf32>
        %parallel_loop3A_262 = arith.addf %parallel_loop3A_261, %parallel_loop3A_259 : vector<16xf32>
        %parallel_loop3A_263 = arith.divf %parallel_loop3A_255, %parallel_loop3A_262 : vector<16xf32>
        %parallel_loop3A_264 = arith.mulf %parallel_loop3A_178, %parallel_loop3A_263 : vector<16xf32>
        %parallel_loop3A_265 = arith.index_cast %parallel_loop3A_167 : i32 to index
        %parallel_loop3A_266 = arith.constant 0 : index
        %parallel_loop3A_267 = tpu.vector_load %arg10[%parallel_loop3A_265, %parallel_loop3A_266] {strides = array<i32>} : memref<112x128xf32, #tpu.memory_space<vmem>>, vector<1x16xf32>,
        %parallel_loop3A_268 = vector.shape_cast %parallel_loop3A_267 : vector<1x16xf32> to vector<16xf32>
        %parallel_loop3A_269 = vector.shape_cast %parallel_loop3A_264 : vector<16xf32> to vector<1x16xf32>
        tpu.vector_store %arg10[%parallel_loop3A_265, %parallel_loop3A_266], %parallel_loop3A_269 {strides = array<i32>} : memref<112x128xf32, #tpu.memory_space<vmem>>, vector<1x16xf32>,
        %parallel_loop3A_270 = arith.mulf %parallel_loop3A_182, %parallel_loop3A_263 : vector<16xf32>
        %parallel_loop3A_271 = arith.index_cast %parallel_loop3A_167 : i32 to index
        %parallel_loop3A_272 = arith.constant 16 : index
        %parallel_loop3A_273 = tpu.vector_load %arg10[%parallel_loop3A_271, %parallel_loop3A_272] {strides = array<i32>} : memref<112x128xf32, #tpu.memory_space<vmem>>, vector<1x16xf32>,
        %parallel_loop3A_274 = vector.shape_cast %parallel_loop3A_273 : vector<1x16xf32> to vector<16xf32>
        %parallel_loop3A_275 = vector.shape_cast %parallel_loop3A_270 : vector<16xf32> to vector<1x16xf32>
        tpu.vector_store %arg10[%parallel_loop3A_271, %parallel_loop3A_272], %parallel_loop3A_275 {strides = array<i32>} : memref<112x128xf32, #tpu.memory_space<vmem>>, vector<1x16xf32>,
        %parallel_loop3A_276 = arith.mulf %parallel_loop3A_186, %parallel_loop3A_263 : vector<16xf32>
        %parallel_loop3A_277 = arith.index_cast %parallel_loop3A_167 : i32 to index
        %parallel_loop3A_278 = arith.constant 32 : index
        %parallel_loop3A_279 = tpu.vector_load %arg10[%parallel_loop3A_277, %parallel_loop3A_278] {strides = array<i32>} : memref<112x128xf32, #tpu.memory_space<vmem>>, vector<1x16xf32>,
        %parallel_loop3A_280 = vector.shape_cast %parallel_loop3A_279 : vector<1x16xf32> to vector<16xf32>
        %parallel_loop3A_281 = vector.shape_cast %parallel_loop3A_276 : vector<16xf32> to vector<1x16xf32>
        tpu.vector_store %arg10[%parallel_loop3A_277, %parallel_loop3A_278], %parallel_loop3A_281 {strides = array<i32>} : memref<112x128xf32, #tpu.memory_space<vmem>>, vector<1x16xf32>,
        %parallel_loop3A_282 = arith.mulf %parallel_loop3A_190, %parallel_loop3A_263 : vector<16xf32>
        %parallel_loop3A_283 = arith.index_cast %parallel_loop3A_167 : i32 to index
        %parallel_loop3A_284 = arith.constant 48 : index
        %parallel_loop3A_285 = tpu.vector_load %arg10[%parallel_loop3A_283, %parallel_loop3A_284] {strides = array<i32>} : memref<112x128xf32, #tpu.memory_space<vmem>>, vector<1x16xf32>,
        %parallel_loop3A_286 = vector.shape_cast %parallel_loop3A_285 : vector<1x16xf32> to vector<16xf32>
        %parallel_loop3A_287 = vector.shape_cast %parallel_loop3A_282 : vector<16xf32> to vector<1x16xf32>
        tpu.vector_store %arg10[%parallel_loop3A_283, %parallel_loop3A_284], %parallel_loop3A_287 {strides = array<i32>} : memref<112x128xf32, #tpu.memory_space<vmem>>, vector<1x16xf32>,
        %parallel_loop3A_288 = arith.mulf %parallel_loop3A_194, %parallel_loop3A_263 : vector<16xf32>
        %parallel_loop3A_289 = arith.index_cast %parallel_loop3A_167 : i32 to index
        %parallel_loop3A_290 = arith.constant 64 : index
        %parallel_loop3A_291 = tpu.vector_load %arg10[%parallel_loop3A_289, %parallel_loop3A_290] {strides = array<i32>} : memref<112x128xf32, #tpu.memory_space<vmem>>, vector<1x16xf32>,
        %parallel_loop3A_292 = vector.shape_cast %parallel_loop3A_291 : vector<1x16xf32> to vector<16xf32>
        %parallel_loop3A_293 = vector.shape_cast %parallel_loop3A_288 : vector<16xf32> to vector<1x16xf32>
        tpu.vector_store %arg10[%parallel_loop3A_289, %parallel_loop3A_290], %parallel_loop3A_293 {strides = array<i32>} : memref<112x128xf32, #tpu.memory_space<vmem>>, vector<1x16xf32>,
        %parallel_loop3A_294 = arith.mulf %parallel_loop3A_198, %parallel_loop3A_263 : vector<16xf32>
        %parallel_loop3A_295 = arith.index_cast %parallel_loop3A_167 : i32 to index
        %parallel_loop3A_296 = arith.constant 80 : index
        %parallel_loop3A_297 = tpu.vector_load %arg10[%parallel_loop3A_295, %parallel_loop3A_296] {strides = array<i32>} : memref<112x128xf32, #tpu.memory_space<vmem>>, vector<1x16xf32>,
        %parallel_loop3A_298 = vector.shape_cast %parallel_loop3A_297 : vector<1x16xf32> to vector<16xf32>
        %parallel_loop3A_299 = vector.shape_cast %parallel_loop3A_294 : vector<16xf32> to vector<1x16xf32>
        tpu.vector_store %arg10[%parallel_loop3A_295, %parallel_loop3A_296], %parallel_loop3A_299 {strides = array<i32>} : memref<112x128xf32, #tpu.memory_space<vmem>>, vector<1x16xf32>,
        %parallel_loop3A_300 = arith.mulf %parallel_loop3A_202, %parallel_loop3A_263 : vector<16xf32>
        %parallel_loop3A_301 = arith.index_cast %parallel_loop3A_167 : i32 to index
        %parallel_loop3A_302 = arith.constant 96 : index
        %parallel_loop3A_303 = tpu.vector_load %arg10[%parallel_loop3A_301, %parallel_loop3A_302] {strides = array<i32>} : memref<112x128xf32, #tpu.memory_space<vmem>>, vector<1x16xf32>,
        %parallel_loop3A_304 = vector.shape_cast %parallel_loop3A_303 : vector<1x16xf32> to vector<16xf32>
        %parallel_loop3A_305 = vector.shape_cast %parallel_loop3A_300 : vector<16xf32> to vector<1x16xf32>
        tpu.vector_store %arg10[%parallel_loop3A_301, %parallel_loop3A_302], %parallel_loop3A_305 {strides = array<i32>} : memref<112x128xf32, #tpu.memory_space<vmem>>, vector<1x16xf32>,
        %parallel_loop3A_306 = arith.mulf %parallel_loop3A_206, %parallel_loop3A_263 : vector<16xf32>
        %parallel_loop3A_307 = arith.index_cast %parallel_loop3A_167 : i32 to index
        %parallel_loop3A_308 = arith.constant 112 : index
        %parallel_loop3A_309 = tpu.vector_load %arg10[%parallel_loop3A_307, %parallel_loop3A_308] {strides = array<i32>} : memref<112x128xf32, #tpu.memory_space<vmem>>, vector<1x16xf32>,
        %parallel_loop3A_310 = vector.shape_cast %parallel_loop3A_309 : vector<1x16xf32> to vector<16xf32>
        %parallel_loop3A_311 = vector.shape_cast %parallel_loop3A_306 : vector<16xf32> to vector<1x16xf32>
        tpu.vector_store %arg10[%parallel_loop3A_307, %parallel_loop3A_308], %parallel_loop3A_311 {strides = array<i32>} : memref<112x128xf32, #tpu.memory_space<vmem>>, vector<1x16xf32>,
      } {sc.loop_unroll_factor = 2 : i64, sc.parallel_access}
      %add3A_154 = arith.constant 2 : i32
      %add3A_155 = arith.addi %add3A_138, %add3A_154 : i32
      %lt3A_156 = arith.constant 18 : i32
      %lt3A_157 = arith.cmpi slt, %add3A_155, %lt3A_156 : i32
      %convert_element_type3A_158 = arith.extui %lt3A_157 : i1 to i32
      %cond3A_159 = arith.constant 0 : i32
      %cond3A_160 = arith.cmpi ne, %convert_element_type3A_158, %cond3A_159 : i32
      scf.if %cond3A_160 {
        %add3A_167 = arith.constant 2 : i32
        %add3A_168 = arith.addi %add3A_138, %add3A_167 : i32
        %mul3A_169 = arith.constant 112 : i32
        %mul3A_170 = arith.muli %add3A_168, %mul3A_169 : i32
        %add3A_171 = arith.addi %min3A_25, %mul3A_170 : i32
        %dma_start3A_172 = arith.constant 0 : i32
        %dma_start3A_173 = tpu.memref_slice %arg2[%add3A_171, %dma_start3A_172] : memref<100000x128xf32, #tpu.memory_space<hbm>> -> memref<112x128xf32, #tpu.memory_space<hbm>>
        %dma_start3A_174 = arith.constant 0 : i32
        %dma_start3A_175 = tpu.memref_slice %arg2[%add3A_171, %dma_start3A_174] : memref<100000x128xf32, #tpu.memory_space<hbm>> -> memref<112x128xf32, #tpu.memory_space<hbm>>
        tpu.enqueue_dma source(%dma_start3A_175 : memref<112x128xf32, #tpu.memory_space<hbm>>) target(%arg8 : memref<112x128xf32, #tpu.memory_space<vmem>>) target_semaphore(%arg16 : memref<!tpu.dma_semaphore, #tpu.memory_space<semaphore_mem>>)
      } else {
      }
      %dma_start3A_161 = arith.constant 0 : i32
      %dma_start3A_162 = tpu.memref_slice %arg11[%add3A_138, %dma_start3A_161] : memref<18x112xi32, #tpu.memory_space<vmem>> -> memref<1x112xi32, #tpu.memory_space<vmem>>
      %dma_start3A_163 = tpu.memref_squeeze %dma_start3A_162 : memref<1x112xi32, #tpu.memory_space<vmem>> -> memref<112xi32, #tpu.memory_space<vmem>>
      %dma_start3A_164 = arith.constant 0 : i32
      %dma_start3A_165 = arith.constant 0 : i32
      %dma_start3A_166 = tpu.memref_slice %arg14[%dma_start3A_164, %dma_start3A_165] : memref<1024x128xf32, #tpu.memory_space<vmem_shared>> -> memref<1024x128xf32, #tpu.memory_space<vmem_shared>>
      tpu.enqueue_indirect_dma source(%arg10 : memref<112x128xf32, #tpu.memory_space<vmem>>) target(%dma_start3A_166 : memref<1024x128xf32, #tpu.memory_space<vmem_shared>>) offsets(%dma_start3A_163 : memref<112xi32, #tpu.memory_space<vmem>>) semaphore(%arg18 : memref<!tpu.dma_semaphore, #tpu.memory_space<semaphore_mem>>) {add = true}
    }
    %scan3A_88 = arith.constant 9 : i32
    %dma_wait3A = arith.constant 16 : i32
    %dma_wait3A_89 = arith.constant 0 : i32
    %dma_wait3A_90 = tpu.memref_slice %arg11[%dma_wait3A, %dma_wait3A_89] : memref<18x112xi32, #tpu.memory_space<vmem>> -> memref<1x112xi32, #tpu.memory_space<vmem>>
    %dma_wait3A_91 = tpu.memref_squeeze %dma_wait3A_90 : memref<1x112xi32, #tpu.memory_space<vmem>> -> memref<112xi32, #tpu.memory_space<vmem>>
    %dma_wait3A_92 = arith.constant 0 : i32
    %dma_wait3A_93 = arith.constant 0 : i32
    %dma_wait3A_94 = tpu.memref_slice %arg14[%dma_wait3A_92, %dma_wait3A_93] : memref<1024x128xf32, #tpu.memory_space<vmem_shared>> -> memref<1024x128xf32, #tpu.memory_space<vmem_shared>>
    tpu.wait_indirect_dma semaphore(%arg17 : memref<!tpu.dma_semaphore, #tpu.memory_space<semaphore_mem>>) src(%arg9 : memref<112x128xf32, #tpu.memory_space<vmem>>) dst(%dma_wait3A_94 : memref<1024x128xf32, #tpu.memory_space<vmem_shared>>)
    %dma_wait3A_95 = arith.constant 17 : i32
    %dma_wait3A_96 = arith.constant 0 : i32
    %dma_wait3A_97 = tpu.memref_slice %arg11[%dma_wait3A_95, %dma_wait3A_96] : memref<18x112xi32, #tpu.memory_space<vmem>> -> memref<1x112xi32, #tpu.memory_space<vmem>>
    %dma_wait3A_98 = tpu.memref_squeeze %dma_wait3A_97 : memref<1x112xi32, #tpu.memory_space<vmem>> -> memref<112xi32, #tpu.memory_space<vmem>>
    %dma_wait3A_99 = arith.constant 0 : i32
    %dma_wait3A_100 = arith.constant 0 : i32
    %dma_wait3A_101 = tpu.memref_slice %arg14[%dma_wait3A_99, %dma_wait3A_100] : memref<1024x128xf32, #tpu.memory_space<vmem_shared>> -> memref<1024x128xf32, #tpu.memory_space<vmem_shared>>
    tpu.wait_indirect_dma semaphore(%arg18 : memref<!tpu.dma_semaphore, #tpu.memory_space<semaphore_mem>>) src(%arg10 : memref<112x128xf32, #tpu.memory_space<vmem>>) dst(%dma_wait3A_101 : memref<1024x128xf32, #tpu.memory_space<vmem_shared>>)
    %barrier3A_102 = arith.constant 0 : index
    tpu.barrier barrier_id(%barrier3A_102)
    %mul3A_103 = arith.constant 64 : i32
    %mul3A_104 = arith.muli %arg1, %mul3A_103 : i32
    %mul3A_105 = arith.constant 64 : i32
    %mul3A_106 = arith.muli %arg1, %mul3A_105 : i32
    "tpu.region"() ({
      %run_scoped3A = tpu.sem_alloc : memref<!tpu.dma_semaphore, #tpu.memory_space<semaphore_mem>>
      %dma_start3A_107 = arith.constant 0 : i32
      %dma_start3A_108 = tpu.memref_slice %arg6[%arg0, %mul3A_106, %dma_start3A_107] : memref<2x1024x128xf32, #tpu.memory_space<hbm>> -> memref<1x64x128xf32, #tpu.memory_space<hbm>>
      %dma_start3A_109 = tpu.memref_squeeze %dma_start3A_108 : memref<1x64x128xf32, #tpu.memory_space<hbm>> -> memref<64x128xf32, #tpu.memory_space<hbm>>
      %dma_start3A_110 = arith.constant 0 : i32
      %dma_start3A_111 = tpu.memref_slice %arg14[%mul3A_104, %dma_start3A_110] : memref<1024x128xf32, #tpu.memory_space<vmem_shared>> -> memref<64x128xf32, #tpu.memory_space<vmem_shared>>
      tpu.enqueue_dma source(%dma_start3A_111 : memref<64x128xf32, #tpu.memory_space<vmem_shared>>) target(%dma_start3A_109 : memref<64x128xf32, #tpu.memory_space<hbm>>) target_semaphore(%run_scoped3A : memref<!tpu.dma_semaphore, #tpu.memory_space<semaphore_mem>>)
      %dma_wait3A_112 = arith.constant 0 : i32
      %dma_wait3A_113 = tpu.memref_slice %arg6[%arg0, %mul3A_106, %dma_wait3A_112] : memref<2x1024x128xf32, #tpu.memory_space<hbm>> -> memref<1x64x128xf32, #tpu.memory_space<hbm>>
      %dma_wait3A_114 = tpu.memref_squeeze %dma_wait3A_113 : memref<1x64x128xf32, #tpu.memory_space<hbm>> -> memref<64x128xf32, #tpu.memory_space<hbm>>
      %dma_wait3A_115 = arith.constant 0 : i32
      %dma_wait3A_116 = tpu.memref_slice %arg14[%mul3A_104, %dma_wait3A_115] : memref<1024x128xf32, #tpu.memory_space<vmem_shared>> -> memref<64x128xf32, #tpu.memory_space<vmem_shared>>
      tpu.wait_dma2 semaphore(%run_scoped3A : memref<!tpu.dma_semaphore, #tpu.memory_space<semaphore_mem>>) src(%dma_wait3A_116 : memref<64x128xf32, #tpu.memory_space<vmem_shared>>) dst(%dma_wait3A_114 : memref<64x128xf32, #tpu.memory_space<hbm>>)
      tpu.yield
    }) : () -> ()
    return
  }
}

module attributes {stable_mosaic.version = 14 : i64} {
  func.func @_tc_body(%arg0: i32, %arg1: memref<1x1x1000xi32, #tpu.memory_space<vmem>>, %arg2: memref<1000x128xf32, #tpu.memory_space<vmem>>, %arg3: memref<128x1xf32, #tpu.memory_space<vmem>>, %arg4: memref<1x1xf32, #tpu.memory_space<vmem>>, %arg5: memref<1024x128xf32, #tpu.memory_space<vmem>>) attributes {dimension_semantics = [#tpu.dimension_semantics<arbitrary>], iteration_bounds = array<i64: 40>, scalar_prefetch = 0 : i64, scratch_operands = 0 : i64, tpu.core_type = #tpu.core_type<tc>, window_params = [{transform_indices = @transform_0, window_bounds = array<i64: 1, 1, 1000>}, {transform_indices = @transform_1, window_bounds = array<i64: 1000, 128>}, {pipeline_mode = #tpu.pipeline_mode<synchronous>, transform_indices = @transform_2, window_bounds = array<i64: 128, 1>}, {pipeline_mode = #tpu.pipeline_mode<synchronous>, transform_indices = @transform_3, window_bounds = array<i64: 1, 1>}, {pipeline_mode = #tpu.pipeline_mode<synchronous>, transform_indices = @transform_4, window_bounds = array<i64: 1024, 128>}]} {
    %eq3A = arith.constant 0 : i32
    %eq3A_0 = arith.cmpi eq, %arg0, %eq3A : i32
    %convert_element_type3A = arith.extui %eq3A_0 : i1 to i32
    %cond3A = arith.constant 0 : i32
    %cond3A_1 = arith.cmpi ne, %convert_element_type3A, %cond3A : i32
    scf.if %cond3A_1 {
      %broadcast_in_dim3A = arith.constant 0.000000e+00 : f32
      %broadcast_in_dim3A_58 = vector.broadcast %broadcast_in_dim3A : f32 to vector<1024x128xf32>
      %swap3A = arith.constant 0 : index
      %swap3A_59 = arith.constant 0 : index
      %swap3A_60 = vector.load %arg5[%swap3A, %swap3A_59] : memref<1024x128xf32, #tpu.memory_space<vmem>>, vector<1024x128xf32>
      tpu.vector_store %arg5[%swap3A, %swap3A_59], %broadcast_in_dim3A_58 {strides = array<i32>} : memref<1024x128xf32, #tpu.memory_space<vmem>>, vector<1024x128xf32>,
    } else {
    }
    %get3A = arith.constant 0 : index
    %get3A_2 = arith.constant 0 : index
    %get3A_3 = vector.load %arg2[%get3A, %get3A_2] : memref<1000x128xf32, #tpu.memory_space<vmem>>, vector<1000x128xf32>
    %get3A_4 = arith.constant 0 : index
    %get3A_5 = arith.constant 0 : index
    %get3A_6 = vector.load %arg3[%get3A_4, %get3A_5] : memref<128x1xf32, #tpu.memory_space<vmem>>, vector<128x1xf32>
    %dot_general3A = arith.constant dense<0.000000e+00> : vector<1000x1xf32>
    %dot_general3A_7 = tpu.matmul %get3A_3, %get3A_6, %dot_general3A {dimension_numbers = #tpu.dot_dimension_numbers<[1], [0], [0], [1], [0, 0, 1, 1], [], []>, transpose_lhs_hint = false} : vector<1000x128xf32>, vector<128x1xf32>, vector<1000x1xf32> -> vector<1000x1xf32>
    %get3A_8 = arith.constant 0 : index
    %get3A_9 = arith.constant 0 : index
    %get3A_10 = vector.load %arg4[%get3A_8, %get3A_9] : memref<1x1xf32, #tpu.memory_space<vmem>>, vector<1x1xf32>
    %get3A_11 = vector.extract %get3A_10[0, 0] : f32 from vector<1x1xf32>
    %add3A = vector.broadcast %get3A_11 : f32 to vector<1000x1xf32>
    %add3A_12 = arith.addf %dot_general3A_7, %add3A : vector<1000x1xf32>
    %neg3A = arith.constant 0.000000e+00 : f32
    %neg3A_13 = vector.broadcast %neg3A : f32 to vector<1000x1xf32>
    %neg3A_14 = arith.subf %neg3A_13, %add3A_12 : vector<1000x1xf32>
    %exp3A = math.exp %neg3A_14 : vector<1000x1xf32>
    %add3A_15 = arith.constant 1.000000e+00 : f32
    %add3A_16 = vector.broadcast %add3A_15 : f32 to vector<1000x1xf32>
    %add3A_17 = arith.addf %add3A_16, %exp3A : vector<1000x1xf32>
    %div3A = arith.constant 1.000000e+00 : f32
    %div3A_18 = vector.broadcast %div3A : f32 to vector<1000x1xf32>
    %div3A_19 = arith.divf %div3A_18, %add3A_17 : vector<1000x1xf32>
    %mul3A = vector.broadcast %div3A_19 : vector<1000x1xf32> to vector<1000x128xf32>
    %mul3A_20 = arith.mulf %get3A_3, %mul3A : vector<1000x128xf32>
    %convert_element_type3A_21 = arith.truncf %mul3A_20 : vector<1000x128xf32> to vector<1000x128xbf16>
    %get3A_22 = arith.constant 0 : index
    %get3A_23 = arith.constant 0 : index
    %get3A_24 = arith.constant 0 : index
    %get3A_25 = vector.load %arg1[%get3A_22, %get3A_23, %get3A_24] : memref<1x1x1000xi32, #tpu.memory_space<vmem>>, vector<1x1x1000xi32>
    %get3A_26 = vector.shape_cast %get3A_25 : vector<1x1x1000xi32> to vector<1000xi32>
    %slice3A = vector.extract_strided_slice %get3A_26 {offsets = [0], sizes = [1], strides = [1]} : vector<1000xi32> to vector<1xi32>
    %squeeze3A = vector.extract %slice3A[0] : i32 from vector<1xi32>
    %jit3A = arith.constant 8 : i32
    %div3A_27 = arith.divsi %squeeze3A, %jit3A : i32
    %sign3A = arith.constant 0 : i32
    %sign3A_28 = arith.cmpi sgt, %squeeze3A, %sign3A : i32
    %sign3A_29 = arith.extui %sign3A_28 : i1 to i32
    %sign3A_30 = arith.constant 0 : i32
    %sign3A_31 = arith.cmpi slt, %squeeze3A, %sign3A_30 : i32
    %sign3A_32 = arith.extui %sign3A_31 : i1 to i32
    %sign3A_33 = arith.subi %sign3A_29, %sign3A_32 : i32
    %sign3A_34 = arith.constant 0 : i32
    %sign3A_35 = arith.cmpi sgt, %jit3A, %sign3A_34 : i32
    %sign3A_36 = arith.extui %sign3A_35 : i1 to i32
    %sign3A_37 = arith.constant 0 : i32
    %sign3A_38 = arith.cmpi slt, %jit3A, %sign3A_37 : i32
    %sign3A_39 = arith.extui %sign3A_38 : i1 to i32
    %sign3A_40 = arith.subi %sign3A_36, %sign3A_39 : i32
    %ne3A = arith.cmpi ne, %sign3A_33, %sign3A_40 : i32
    %rem3A = arith.remsi %squeeze3A, %jit3A : i32
    %ne3A_41 = arith.constant 0 : i32
    %ne3A_42 = arith.cmpi ne, %rem3A, %ne3A_41 : i32
    %and3A = arith.andi %ne3A, %ne3A_42 : i1
    %sub3A = arith.constant 1 : i32
    %sub3A_43 = arith.subi %div3A_27, %sub3A : i32
    %select_n3A = arith.select %and3A, %sub3A_43, %div3A_27 : i32
    %mul3A_44 = arith.constant 8 : i32
    %mul3A_45 = arith.muli %select_n3A, %mul3A_44 : i32
    %min3A = arith.constant 896 : i32
    %min3A_46 = arith.minsi %mul3A_45, %min3A : i32
    %slice3A_47 = vector.extract_strided_slice %get3A_26 {offsets = [999], sizes = [1], strides = [1]} : vector<1000xi32> to vector<1xi32>
    %squeeze3A_48 = vector.extract %slice3A_47[0] : i32 from vector<1xi32>
    %sub3A_49 = arith.subi %squeeze3A_48, %min3A_46 : i32
    %lt3A = arith.constant 128 : i32
    %lt3A_50 = arith.cmpi slt, %sub3A_49, %lt3A : i32
    %convert_element_type3A_51 = arith.extui %lt3A_50 : i1 to i32
    %cond3A_52 = arith.constant 0 : i32
    %cond3A_53 = arith.cmpi ne, %convert_element_type3A_51, %cond3A_52 : i32
    scf.if %cond3A_53 {
      %broadcast_in_dim3A = vector.shape_cast %get3A_26 : vector<1000xi32> to vector<1x1000xi32>
      %sub3A_58 = vector.broadcast %min3A_46 : i32 to vector<1x1000xi32>
      %sub3A_59 = arith.subi %broadcast_in_dim3A, %sub3A_58 : vector<1x1000xi32>
      %iota3A = tpu.iota {dimensions = array<i32: 0>} : vector<128x1000xi32>
      %eq3A_60 = vector.broadcast %sub3A_59 : vector<1x1000xi32> to vector<128x1000xi32>
      %eq3A_61 = arith.cmpi eq, %eq3A_60, %iota3A : vector<128x1000xi32>
      %convert_element_type3A_62 = arith.extui %eq3A_61 : vector<128x1000xi1> to vector<128x1000xi32>
      %convert_element_type3A_63 = arith.sitofp %convert_element_type3A_62 : vector<128x1000xi32> to vector<128x1000xf32>
      %convert_element_type3A_64 = arith.truncf %convert_element_type3A_63 : vector<128x1000xf32> to vector<128x1000xbf16>
      %get3A_65 = arith.index_cast %min3A_46 : i32 to index
      %get3A_66 = arith.constant 0 : index
      %get3A_67 = vector.load %arg5[%get3A_65, %get3A_66] : memref<1024x128xf32, #tpu.memory_space<vmem>>, vector<128x128xf32>
      %dot_general3A_68 = arith.constant dense<0.000000e+00> : vector<128x128xf32>
      %dot_general3A_69 = tpu.matmul %convert_element_type3A_64, %convert_element_type3A_21, %dot_general3A_68 {dimension_numbers = #tpu.dot_dimension_numbers<[1], [0], [0], [1], [0, 0, 1, 1], [], []>, transpose_lhs_hint = false} : vector<128x1000xbf16>, vector<1000x128xbf16>, vector<128x128xf32> -> vector<128x128xf32>
      %add3A_70 = arith.addf %get3A_67, %dot_general3A_69 : vector<128x128xf32>
      %swap3A = arith.index_cast %min3A_46 : i32 to index
      %swap3A_71 = arith.constant 0 : index
      %swap3A_72 = vector.load %arg5[%swap3A, %swap3A_71] : memref<1024x128xf32, #tpu.memory_space<vmem>>, vector<128x128xf32>
      tpu.vector_store %arg5[%swap3A, %swap3A_71], %add3A_70 {strides = array<i32>} : memref<1024x128xf32, #tpu.memory_space<vmem>>, vector<128x128xf32>,
    } else {
    }
    %not3A = arith.constant true
    %not3A_54 = arith.xori %lt3A_50, %not3A : i1
    %convert_element_type3A_55 = arith.extui %not3A_54 : i1 to i32
    %cond3A_56 = arith.constant 0 : i32
    %cond3A_57 = arith.cmpi ne, %convert_element_type3A_55, %cond3A_56 : i32
    scf.if %cond3A_57 {
      %broadcast_in_dim3A = vector.shape_cast %get3A_26 : vector<1000xi32> to vector<1x1000xi32>
      %iota3A = tpu.iota {dimensions = array<i32: 0>} : vector<1024x1000xi32>
      %eq3A_58 = vector.broadcast %broadcast_in_dim3A : vector<1x1000xi32> to vector<1024x1000xi32>
      %eq3A_59 = arith.cmpi eq, %eq3A_58, %iota3A : vector<1024x1000xi32>
      %convert_element_type3A_60 = arith.extui %eq3A_59 : vector<1024x1000xi1> to vector<1024x1000xi32>
      %convert_element_type3A_61 = arith.sitofp %convert_element_type3A_60 : vector<1024x1000xi32> to vector<1024x1000xf32>
      %convert_element_type3A_62 = arith.truncf %convert_element_type3A_61 : vector<1024x1000xf32> to vector<1024x1000xbf16>
      %get3A_63 = arith.constant 0 : index
      %get3A_64 = arith.constant 0 : index
      %get3A_65 = vector.load %arg5[%get3A_63, %get3A_64] : memref<1024x128xf32, #tpu.memory_space<vmem>>, vector<1024x128xf32>
      %dot_general3A_66 = arith.constant dense<0.000000e+00> : vector<1024x128xf32>
      %dot_general3A_67 = tpu.matmul %convert_element_type3A_62, %convert_element_type3A_21, %dot_general3A_66 {dimension_numbers = #tpu.dot_dimension_numbers<[1], [0], [0], [1], [0, 0, 1, 1], [], []>, transpose_lhs_hint = false} : vector<1024x1000xbf16>, vector<1000x128xbf16>, vector<1024x128xf32> -> vector<1024x128xf32>
      %add3A_68 = arith.addf %get3A_65, %dot_general3A_67 : vector<1024x128xf32>
      %swap3A = arith.constant 0 : index
      %swap3A_69 = arith.constant 0 : index
      %swap3A_70 = vector.load %arg5[%swap3A, %swap3A_69] : memref<1024x128xf32, #tpu.memory_space<vmem>>, vector<1024x128xf32>
      tpu.vector_store %arg5[%swap3A, %swap3A_69], %add3A_68 {strides = array<i32>} : memref<1024x128xf32, #tpu.memory_space<vmem>>, vector<1024x128xf32>,
    } else {
    }
    return
  }
  func.func @transform_0(%arg0: i32) -> (i32, i32, i32) {
    %c0_i32 = arith.constant 0 : i32
    %c0_i32_0 = arith.constant 0 : i32
    %c0_i32_1 = arith.constant 0 : i32
    return %arg0, %c0_i32, %c0_i32_0 : i32, i32, i32
  }
  func.func @transform_1(%arg0: i32) -> (i32, i32) {
    %c0_i32 = arith.constant 0 : i32
    %c0_i32_0 = arith.constant 0 : i32
    return %arg0, %c0_i32 : i32, i32
  }
  func.func @transform_2(%arg0: i32) -> (i32, i32) {
    %c0_i32 = arith.constant 0 : i32
    %c0_i32_0 = arith.constant 0 : i32
    %c0_i32_1 = arith.constant 0 : i32
    return %c0_i32, %c0_i32_0 : i32, i32
  }
  func.func @transform_3(%arg0: i32) -> (i32, i32) {
    %c0_i32 = arith.constant 0 : i32
    %c0_i32_0 = arith.constant 0 : i32
    %c0_i32_1 = arith.constant 0 : i32
    return %c0_i32, %c0_i32_0 : i32, i32
  }
  func.func @transform_4(%arg0: i32) -> (i32, i32) {
    %c0_i32 = arith.constant 0 : i32
    %c0_i32_0 = arith.constant 0 : i32
    %c0_i32_1 = arith.constant 0 : i32
    return %c0_i32, %c0_i32_0 : i32, i32
  }
}

module attributes {stable_mosaic.version = 14 : i64} {
  func.func @_combine_body(%arg0: memref<1024x128xf32, #tpu.memory_space<vmem>>, %arg1: memref<2x1024x128xf32, #tpu.memory_space<vmem>>, %arg2: memref<1024x128xf32, #tpu.memory_space<vmem>>) attributes {dimension_semantics = [], scalar_prefetch = 0 : i64, scratch_operands = 0 : i64, tpu.core_type = #tpu.core_type<tc>} {
    %get3A = arith.constant 0 : index
    %get3A_0 = arith.constant 0 : index
    %get3A_1 = vector.load %arg0[%get3A, %get3A_0] : memref<1024x128xf32, #tpu.memory_space<vmem>>, vector<1024x128xf32>
    %get3A_2 = arith.constant 0 : index
    %get3A_3 = arith.constant 0 : index
    %get3A_4 = arith.constant 0 : index
    %get3A_5 = vector.load %arg1[%get3A_2, %get3A_3, %get3A_4] : memref<2x1024x128xf32, #tpu.memory_space<vmem>>, vector<1x1024x128xf32>
    %get3A_6 = vector.shape_cast %get3A_5 : vector<1x1024x128xf32> to vector<1024x128xf32>
    %add3A = arith.addf %get3A_1, %get3A_6 : vector<1024x128xf32>
    %get3A_7 = arith.constant 1 : index
    %get3A_8 = arith.constant 0 : index
    %get3A_9 = arith.constant 0 : index
    %get3A_10 = vector.load %arg1[%get3A_7, %get3A_8, %get3A_9] : memref<2x1024x128xf32, #tpu.memory_space<vmem>>, vector<1x1024x128xf32>
    %get3A_11 = vector.shape_cast %get3A_10 : vector<1x1024x128xf32> to vector<1024x128xf32>
    %add3A_12 = arith.addf %add3A, %get3A_11 : vector<1024x128xf32>
    %swap3A = arith.constant 0 : index
    %swap3A_13 = arith.constant 0 : index
    %swap3A_14 = vector.load %arg2[%swap3A, %swap3A_13] : memref<1024x128xf32, #tpu.memory_space<vmem>>, vector<1024x128xf32>
    tpu.vector_store %arg2[%swap3A, %swap3A_13], %add3A_12 {strides = array<i32>} : memref<1024x128xf32, #tpu.memory_space<vmem>>, vector<1024x128xf32>,
    return
  }
}

</mosaic_0001>

<sc_bundles>
// kernel: kernel.5.cloned.1.call-start
scs
__scs_entry_jumppad:
0x0: {  	(pc) =	sbr.rel $0x88, $3  }
0x1: {  	(tag) =	ssettag $0x0;
	lr =	simm.s32 $0x1  }
0x2: {  	[smem:$0x3F9D] =	sst lr;
	_ =	strace $0xD0000000  }
0x3: {  	_ = 	snop  }
0x4: {  	_ = 	snop  }
0x5: {  	_ = 	snop  }
0x6: {  	_ = 	snop  }
0x7: {  	_ = 	snop  }
__scs_overlays_trampoline_lowered:
0x8: {  	[smem:$0x3FAC] =	sst s0  }
0x9: {  	[smem:$0x3FAD] =	sst s1  }
0xa: {  	[smem:$0x3FAE] =	sst s2  }
0xb: {  	[smem:$0x3FAF] =	sst s3  }
0xc: {  	[smem:$0x3FB0] =	sst s4  }
0xd: {  	[smem:$0x3FB1] =	sst s5  }
0xe: {  	[smem:$0x3FB2] =	sst s6  }
0xf: {  	[smem:$0x3FB3] =	sst s7  }
0x10: {  	[smem:$0x3FB4] =	sst s8  }
0x11: {  	[smem:$0x3FB5] =	sst s9;
	s0 =	simm.s32 @!p0 $0x0  }
0x12: {  	s1 =	sld [smem:$0x3F9B];
	s0 =	simm.s32 @p0 $0x1  }
0x13: {  	[smem:$0x3FB6] =	sst s0;
	s0 =	simm.s32 @!p1 $0x0  }
0x14: {  	s2 =	sld [smem:$0x3F9A];
	s0 =	simm.s32 @p1 $0x1  }
0x15: {  	[smem:$0x3FB7] =	sst s0;
	s0 =	simm.s32 @!p2 $0x0  }
0x16: {  	s3 =	sld [smem:$0x3FDB];
	s0 =	simm.s32 @p2 $0x1  }
0x17: {  	s4 =	simm.s32 $0x1BF5;
	[smem:$0x3FB9] =	sst s0  }
0x18: {  	s0 =	sld [smem:$0x3F9C];
	_ =	swait.ge [sflag:s4], $0x0  }
0x19: {  	s7 =	sld [smem:$0x3F9D]  }
0x1a: {  	s8 =	sadd.s32 $0xFFFFE003, lr  }
0x1b: {  	s9 =	sadd.s32 $0xFFFFFEF7, lr;
	s5 =	simm.s32 $0xFFFFFFFF;
	p2 =	slt.u32 s8, $0xFFFFF086  }
0x1c: {  	p1 =	slt.u32 s9, $0xF7A;
	s5 =	simm.s32 @!p2 $0x0  }
0x1d: {  	s5 =	simm.s32 @p1 $0x1;
	p0 =	seq.s32 s7, s2  }
0x1e: {  	s7 =	smul.u32 @!p0 $0xF7A, s2;
	p2 =	seq.s32 @!p0 s5, $0x0  }
0x1f: {  	s9 =	smul.u32 $0xF7A, s1;
	s8 =	simm.s32 @!p0 $0x1BF5;
	p2 =	por !p2, p0  }
0x20: {  	[sflag:s8] =	ssyncset.s32 @!p0 $0xFFFFF086;
	s6 =	sadd.s32 @!p0 s3, s7;
	s7 =	simm.s32 @!p0 $0x108  }
0x21: {  	s3 =	sadd.s32 s3, s9;
	s6 =	sadd.s32 @!p0 $0x88, s6;
	s7 =	simm.s32 @p2 $0x1082  }
0x22: {  	[simem:s7], [sflag:s8] =	dma.local @!p0 [hbm:s6], $0xF7A  }
0x23: {  	s9 =	sor.u32 $0xD0000000, s2;
	s6 =	simm.s32 $0x108;
	_ =	swait.ge @!p0 [sflag:s8], $0x0  }
0x24: {  	s3 =	sadd.s32 $0x88, s3;
	s6 =	simm.s32 @!p1 $0x1082;
	[sflag:s4] =	ssyncset.s32 $0xFFFFF086  }
0x25: {  	[simem:s6], [sflag:s4] =	dma.local [hbm:s3], $0xF7A  }
0x26: {  	[smem:$0x3F9D] =	sst s1;
	(tag) =	ssettag s2;
	_ =	strace s9  }
0x27: {  	s1 =	sld [smem:$0x3FAD]  }
0x28: {  	s2 =	sld [smem:$0x3FAE]  }
0x29: {  	s4 =	sld [smem:$0x3FB0]  }
0x2a: {  	p0 =	seq.s32 s5, $0x0;
	s5 =	sld [smem:$0x3FB1]  }
0x2b: {  	s6 =	sld [smem:$0x3FB2]  }
0x2c: {  	s7 =	sld [smem:$0x3FB3]  }
0x2d: {  	s3 =	simm.s32 $0x108;
	s8 =	sld [smem:$0x3FB4]  }
0x2e: {  	s3 =	simm.s32 @!p0 $0x1082;
	s9 =	sld [smem:$0x3FB5]  }
0x2f: {  	lr =	sadd.s32 s0, s3;
	s0 =	sld [smem:$0x3FAC]  }
0x30: {  	s3 =	sld [smem:$0x3FAF]  }
0x31: {  	[smem:$0x3FB8] =	sst s10  }
0x32: {  	s10 =	sld [smem:$0x3FB6];
	_ =	sdelay $0x3  }
0x33: {  	p0 =	seq.s32 s10, $0x1;
	s10 =	sld [smem:$0x3FB8];
	_ =	sdelay $0x3  }
0x34: {  	[smem:$0x3FB8] =	sst s10  }
0x35: {  	s10 =	sld [smem:$0x3FB7];
	_ =	sdelay $0x3  }
0x36: {  	p1 =	seq.s32 s10, $0x1;
	s10 =	sld [smem:$0x3FB8];
	_ =	sdelay $0x3  }
0x37: {  	[smem:$0x3FB8] =	sst s10  }
0x38: {  	s10 =	sld [smem:$0x3FB9]  }
0x39: {  	_ = 	snop;
	(pc) =	sbr.ind lr, $3  }
0x3a: {  	_ = 	snop  }
0x3b: {  	_ = 	snop  }
0x3c: {  	p2 =	seq.s32 s10, $0x1;
	s10 =	sld [smem:$0x3FB8]  }
0x3d: {  	_ =	shalt  }
0x3e: {  	_ =	shalt  }
0x3f: {  	_ =	shalt  }
0x40: {  	_ =	shalt  }
0x41: {  	_ =	shalt  }
0x42: {  	_ =	shalt  }
0x43: {  	_ =	shalt  }
0x44: {  	_ =	shalt  }
0x45: {  	_ =	shalt  }
0x46: {  	_ =	shalt  }
0x47: {  	_ =	shalt  }
0x48: {  	_ =	shalt  }
0x49: {  	_ =	shalt  }
0x4a: {  	_ =	shalt  }
0x4b: {  	_ =	shalt  }
0x4c: {  	_ =	shalt  }
0x4d: {  	_ =	shalt  }
0x4e: {  	_ =	shalt  }
0x4f: {  	_ =	shalt  }
0x50: {  	_ =	shalt  }
0x51: {  	_ =	shalt  }
0x52: {  	_ =	shalt  }
0x53: {  	_ =	shalt  }
0x54: {  	_ =	shalt  }
0x55: {  	_ =	shalt  }
0x56: {  	_ =	shalt  }
0x57: {  	_ =	shalt  }
0x58: {  	_ =	shalt  }
0x59: {  	_ =	shalt  }
0x5a: {  	_ =	shalt  }
0x5b: {  	_ =	shalt  }
0x5c: {  	_ =	shalt  }
0x5d: {  	_ =	shalt  }
0x5e: {  	_ =	shalt  }
0x5f: {  	_ =	shalt  }
0x60: {  	_ =	shalt  }
0x61: {  	_ =	shalt  }
0x62: {  	_ =	shalt  }
0x63: {  	_ =	shalt  }
0x64: {  	_ =	shalt  }
0x65: {  	_ =	shalt  }
0x66: {  	_ =	shalt  }
0x67: {  	_ =	shalt  }
0x68: {  	_ =	shalt  }
0x69: {  	_ =	shalt  }
0x6a: {  	_ =	shalt  }
0x6b: {  	_ =	shalt  }
0x6c: {  	_ =	shalt  }
0x6d: {  	_ =	shalt  }
0x6e: {  	_ =	shalt  }
0x6f: {  	_ =	shalt  }
0x70: {  	_ =	shalt  }
0x71: {  	_ =	shalt  }
0x72: {  	_ =	shalt  }
0x73: {  	_ =	shalt  }
0x74: {  	_ =	shalt  }
0x75: {  	_ =	shalt  }
0x76: {  	_ =	shalt  }
0x77: {  	_ =	shalt  }
0x78: {  	_ =	shalt  }
0x79: {  	_ =	shalt  }
0x7a: {  	_ =	shalt  }
0x7b: {  	_ =	shalt  }
0x7c: {  	_ =	shalt  }
0x7d: {  	_ =	shalt  }
0x7e: {  	_ =	shalt  }
0x7f: {  	_ =	shalt  }
0x80: {  	_ =	shalt  }
0x81: {  	_ =	shalt  }
0x82: {  	_ =	shalt  }
0x83: {  	_ =	shalt  }
0x84: {  	_ =	shalt  }
0x85: {  	_ =	shalt  }
0x86: {  	_ =	shalt  }
0x87: {  	_ =	shalt  }
.Lfunc_end0:
.L_simem_size_0:
called_computation_lowered:
.L_overlay_start_0:
0x88: {  	s2 =	sld [smem:$0x3FD9]  }
0x89: {  	s3 =	sld [smem:$0x3FFE];
	_ =	sdelay $0x1  }
0x8a: {  	s1 =	srdreg.scid  }
0x8b: {  	s0 =	sand.u32 $0x1, s1  }
0x8c: {  	s17 =	sshll.u32 s0, $0xA;
	s2 =	sadd.s32 s3, s2  }
0x8d: {  	s2 =	sadd.s32 s2, s17  }
0x8e: {  	[smem:$0x3FC4] =	sst s2  }
0x8f: {  	_ = 	snop  }
0x90: {  	s2 =	sld [smem:$0x3FC9]  }
0x91: {  	s18 =	sld [smem:$0x3FC8]  }
0x92: {  	s4 =	sld [smem:$0x3FC7];
	(tm) =	ssettm $0x1  }
0x93: {  	s5 =	sld [smem:$0x3FFB];
	_ =	sdelay $0x3  }
0x94: {  	_ =	strace s5  }
0x95: {  	s5 =	sld [smem:$0x3FFC];
	_ =	sdelay $0x3  }
0x96: {  	_ =	strace s5  }
0x97: {  	s5 =	sld [smem:$0x3FFD];
	_ =	sdelay $0x3  }
0x98: {  	_ =	strace s5  }
0x99: {  	_ =	strace $0x8FFFFFFF  }
0x9a: {  	s19 =	sld [smem:$0x3FDB];
	_ =	sdelay $0x1  }
0x9b: {  	s6 =	simm.s32 $_scs_section_size  }
0x9c: {  	s7 =	simm.s32 $_size__tile_overlayer_lowered;
	s8 =	simm.s32 $_tile_overlayer_lowered  }
0x9d: {  	s22 =	simm.s32 $0x1BFF;
	s21 =	sshll.u32 s8, $0x1;
	s5 =	sadd.s32 s6, s19  }
0x9e: {  	s9 =	simm.s32 $0x0;
	s20 =	sshll.u32 s7, $0x1;
	s7 =	sadd.s32 s21, s5  }
0x9f: {  	[timem:s9], [sflag:s22] =	dma.local [hbm:s7], s20  }
0xa0: {  	_ =	swait.ge [sflag:s22], s20  }
0xa1: {  	s6 =	ssub.s32 $0x0, s20;
	[sflag:s22] =	ssyncset.done $0x0  }
0xa2: {  	[sflag:s22] =	ssyncadd.s32 s6;
	_ =	sdelay $0x1  }
0xa3: {  	s23 =	simm.s32 $0x1B8B  }
0xa4: {  	_ =	swait.ge [sflag:s23], $0x1  }
0xa5: {  	[sflag:s23] =	ssyncset.done $0x0  }
0xa6: {  	s25 =	simm.s32 $0x1B8E;
	s24 =	sld [smem:$0x3FFE];
	[sflag:s23] =	ssyncadd.s32 $0xFFFFFFFF  }
0xa7: {  	s26 =	simm.s32 $execute0_lowered;
	[smem:$0x3FD2] =	sst s25  }
0xa8: {  	s7 =	sshll.u32 s26, $0x1;
	_ =	strace $0x80000046;
	[dreg:$0x1] =	wrdreg $0xFFFFFFFF  }
0xa9: {  	s28 =	simm.s32 $_size_execute0_lowered;
	s5 =	sadd.s32 s5, s7;
	[dreg:$0x0] =	wrdreg $0x0  }
0xaa: {  	s7 =	sshll.u32 s28, $0x1;
	[dreg:$0x2] =	wrdreg s5  }
0xab: {  	[dreg:$0x3] =	wrdreg s7  }
0xac: {  	[dreg:$0x4] =	wrdreg $0xC0  }
0xad: {  	_ =	task [dreg:s9], $0x5FFFF  }
0xae: {  	[dreg:$0x1] =	wrdreg $0xFFFFFFFF  }
0xaf: {  	[dreg:$0x0] =	wrdreg $0x60  }
0xb0: {  	[dreg:$0x2] =	wrdreg s2  }
0xb1: {  	[dreg:$0x3] =	wrdreg s18  }
0xb2: {  	[dreg:$0x4] =	wrdreg s4  }
0xb3: {  	[dreg:$0x5] =	wrdreg s24  }
0xb4: {  	[dreg:$0x6] =	wrdreg $0xED000  }
0xb5: {  	[dreg:$0x7] =	wrdreg $0x9  }
0xb6: {  	_ =	task.clear_ibuf [dreg:s9], $0x8FFFF;
	_ =	strace $0x90000046  }
0xb7: {  	s29 =	simm.s32 $0x9;
	_ =	strace $0x80000048  }
0xb8: {  	_ =	swait.ge [sflag:s29], $0x1  }
0xb9: {  	[sflag:s29] =	ssyncadd.s32 $0xFFFFFFFF  }
0xba: {  	_ =	strace $0x90000048  }
0xbb: {  	_ =	sfence  }
0xbc: {  	s30 =	sld [smem:$0x0];
	_ =	sdelay $0x2  }
0xbd: {  	s31 =	sshll.u32 s1, $0xD;
	s1 =	sshrl.u32 s1, $0x2  }
0xbe: {  	s3 =	sand.u32 $0x4000, s31;
	s1 =	sadd.s32 s1, s30  }
0xbf: {  	s0 =	sor.u32 s3, s0;
	s1 =	sshll.u32 s1, $0x11  }
0xc0: {  	s0 =	sor.u32 s1, s0  }
0xc1: {  	s0 =	sadd.s32 $0x8F2B, s0  }
0xc2: {  	[sflag:s0] =	ssyncadd.remote.s32 $0x1  }
0xc3: {  	_ =	sfence.sel $0xFFFF  }
0xc4: {  	[dreg:$0x0] =	wrdreg $0xFFFFFFFF;
	(pc) =	sbr.abs _section_cstart, $3  }
0xc5: {  	[dreg:$0x1] =	wrdreg $0xFFFFFFFF  }
0xc6: {  	_ =	task.clear_ibuf [dreg:s9], $0x2FFFF;
	_ =	strace $0x9FFFFFFF  }
0xc7: {  	(tm) =	ssettm $0x7FFFFFFF  }
tec
execute0_lowered:
.L_overlay_start_1:
0x0: {  	(tag) =	ssettag $0x1  }
0x1: {  	s1 =	rddreg [dreg:$0x0]  }
0x2: {  	s0 =	rddreg [dreg:$0x1]  }
0x3: {  	s2 =	rddreg [dreg:$0x3];
	s13 =	stileid.u32  }
0x4: {  	s3 =	srdreg.scid;
	s4 =	rddreg [dreg:$0x4]  }
0x5: {  	s5 =	simm.s32 $0x0;
	s19 =	simm.s32 $0x6;
	s29 =	simm.s32 $0xA800  }
0x6: {  	s30 =	simm.s32 $0x3;
	s31 =	simm.s32 $0x4;
	s3 =	sand.u32 $0x1, s3  }
0x7: {  	s6 =	sshll.u32 s13, $0x1;
	[smem:$0x7FF] =	sst s5;
	s7 =	sshll.u32 s13, $0xA  }
0x8: {  	s8 =	sadd.s32 $0xA00, s2;
	s10 =	smul.u32 $0xEA6, s13;
	s13 =	sshll.u32 s13, $0xD  }
0x9: {  	s6 =	sor.u32 s3, s6;
	_ =	strace $0x80000047;
	[dreg:$0x6] =	wrdreg s8  }
0xa: {  	s2 =	sadd.s32 s7, s2;
	s20 =	ssub.s32 $0x2, s3;
	s12 =	smul.u32 $0x753, s3  }
0xb: {  	v0 =	vimm.s32 $0xEFCDAB89;
	v1 =	vimm.s32 $0x67452301;
	s3 =	sshll.u32 s3, $0xE;
	s6 =	smul.u32 $0x753, s6;
	s11 =	sshrl.u32 s20, $0x1  }
0xc: {  	v2 =	vimm.s32 $0xDCFE98BA;
	v3 =	vimm.s32 $0x54761032;
	v4 =	vimm.s32 $0xBA98FEDC;
	s2 =	sadd.s32 s3, s2;
	s3 =	simm.s32 $0x0;
	s14 =	ssub.s32 s20, s11  }
0xd: {  	v5 =	vimm.s32 $0x32107654;
	v6 =	vimm.s32 $0xFEDCBA98;
	s23 =	sadd.s32 s12, s10;
	s12 =	sadd.s32 s13, s4;
	s2 =	sadd.s32 $0xC00, s2  }
0xe: {  	v7 =	vimm.s32 $0x76543210;
	v0 =	vunpack.c.l.s4.s8 v0;
	v2 =	vunpack.c.l.s4.s8 v2;
	s7 =	sadd.s32 $0x9C40, s6;
	s8 =	sadd.s32 $0xA393, s6;
	s6 =	sadd.s32 $0x9C40, s23  }
0xf: {  	v3 =	vunpack.c.l.s4.s8 v3;
	v4 =	vunpack.c.l.s4.s8 v4;
	v5 =	vunpack.c.l.s4.s8 v5;
	[dreg:$0xa] =	wrdreg s2;
	s26 =	smax.u32 s14, $0x1;
	s23 =	simm.s32 $0x3800  }
0x10: {  	v1 =	vunpack.c.l.s4.s8 v1;
	v6 =	vunpack.c.l.s4.s8 v6;
	v2 =	vunpack.c.0.s8.s32 v2;
	s9 =	sand.u32 $0x1FFF8, s7;
	s6 =	sand.u32 $0x3FFF8, s6;
	[dreg:$0xb] =	wrdreg s26  }
0x11: {  	v3 =	vunpack.c.0.s8.s32 v3;
	v4 =	vunpack.c.0.s8.s32 v4;
	v5 =	vunpack.c.0.s8.s32 v5;
	s26 =	simm.s32 $0x2;
	s9 =	smin.u32 s9, $0x17EC0;
	s25 =	smin.u32 s6, $0x17EC0  }
.Ltmp0:
0x12: {  	v7 =	vunpack.c.l.s4.s8 v7;
	v0 =	vunpack.c.0.s8.s32 v0;
	v1 =	vunpack.c.0.s8.s32 v1;
	s21 =	sshll.u32 s9, $0x4;
	s11 =	sadd.s32 $0xE0, s9;
	(pc) =	sbr.rel .LBB2_1-.Ltmp0, $4  }
0x13: {  	v6 =	vunpack.c.0.s8.s32 v6;
	v2 =	vcombine.low v3, v2;
	v3 =	vcombine.low v5, v4;
	s13 =	sadd.s32 $0x150, s9;
	[dreg:$0x9] =	wrdreg s25;
	s28 =	sshrl.u32 s25, $0x3  }
0x14: {  	v1 =	vcombine.low v1, v0;
	v4 =	vunpack.c.0.s8.s32 v7;
	s25 =	simm.s32 $0x70;
	s22 =	sadd.s32 s1, s21;
	s17 =	sadd.s32 s28, s0  }
0x15: {  	v0 =	vimm.f32 $0.0e+00;
	v5 =	vand.u32 $0xF, v6;
	v9 =	vand.u32 $0xF, v3;
	s21 =	simm.s32 $0x5;
	[dreg:$0x7] =	wrdreg s22;
	s24 =	sadd.s32 $0x700, s22  }
0x16: {  	v7 =	vand.u32 $0xF, v1;
	v8 =	vand.u32 $0xF, v2;
	v5 =	vcombine.low v5, v4;
	[tilespmem:$0x1FFF0] =	vst v9;
	s22 =	simm.s32 $0x7000;
	[dreg:$0x8] =	wrdreg s24;
	s24 =	simm.s32 $0x1  }
.LBB2_12:
0x17: {  	s0 =	simm.s32 $0xE880  }
0x18: {  	[spmem:s4] =	stream.indirect.scatter.add.f32 [tilespmem:s29], [sflag:$0x4], $0x80, s0, s25, $0xb8;
	[tilespmem:$0x10D00] =	vst v63  }
0x19: {  	_ =	swait.ge [sflag:s30], $0x3800  }
0x1a: {  	[sflag:s30] =	ssyncset.done $0x0  }
0x1b: {  	[sflag:s30] =	ssyncadd.s32 $0xFFFFC800  }
0x1c: {  	_ =	swait.ge [sflag:s31], $0x3800  }
0x1d: {  	[sflag:s31] =	ssyncset.done $0x0  }
0x1e: {  	s20 =	stileid.u32;
	[sflag:s31] =	ssyncadd.s32 $0xFFFFC800  }
0x1f: {  	s0 =	sshll.u32 s20, $0x6;
	[bflag:$0x0] =	sbarrier.arrive $0xFFFF  }
0x20: {  	s2 =	sshrl.u32 s12, $0x3;
	s0 =	sor.u32 $0x1C06, s0;
	s6 =	rddreg [dreg:$0xa]  }
0x21: {  	[hbm:s6], [sflag:s0] =	dma.local [spmem:s2], $0x400  }
0x22: {  	_ =	swait.ge [sflag:s19], $0x400  }
0x23: {  	s3 =	sadd.s32 $0x1, s3;
	s28 =	rddreg [dreg:$0xb]  }
0x24: {  	p0 =	sne.s32 s3, s28  }
.Ltmp1:
0x25: {  	_ = 	snop;
	(pc) =	sbr.rel @!p0 .LBB2_13-.Ltmp1, $3  }
0x26: {  	_ =	sdelay $0x1  }
0x27: {  	[sflag:s19] =	ssyncset.done $0x0  }
0x28: {  	v0 =	vimm.f32 $0.0e+00;
	v7 =	vmovc v8;
	v8 =	vmov v6;
	v5 =	vmov v59;
	[sflag:s19] =	ssyncadd.s32 $0xFFFFFC00  }
.LBB2_1:
0x29: {  	s0 =	rddreg [dreg:$0x2];
	s2 =	simm.s32 $0xEC00  }
0x2a: {  	[tilespmem:s2], [sflag:$0x6] =	stream.linear.gather [hbm4b:s0+s5], $0x80, $0x38;
	[tilespmem:$0x10D00] =	vst v63  }
0x2b: {  	_ =	swait.ge [sflag:s19], $0x80  }
0x2c: {  	[sflag:s19] =	ssyncset.done $0x0  }
0x2d: {  	s28 =	simm.s32 $0xEC80;
	s20 =	rddreg [dreg:$0x6];
	[sflag:s19] =	ssyncadd.s32 $0xFFFFFF80  }
0x2e: {  	[tilespmem:s28], [sflag:$0x6] =	stream.linear.gather [hbm4b:s20+s5], $0x80, $0x38;
	[tilespmem:$0x10D00] =	vst v63  }
0x2f: {  	_ =	swait.ge [sflag:s19], $0x80  }
0x30: {  	s9 =	sadd.s32 $0x0, s17;
	s6 =	simm.s32 $0xE080;
	[sflag:s19] =	ssyncset.done $0x0  }
0x31: {  	s0 =	simm.s32 $0xE000;
	s2 =	simm.s32 $0xE;
	[sflag:s19] =	ssyncadd.s32 $0xFFFFFF80  }
.LBB2_2:
0x32: {  	[tilespmem:s0], [sflag:$0x5] =	stream.linear.gather [hbm4b:s9+s5], $0x70, $0x38;
	[tilespmem:$0x10D00] =	vst v63  }
0x33: {  	s9 =	smov.u32 s2;
	s0 =	smov.u32 s6;
	p0 =	sne.s32 s2, $0xEE  }
.Ltmp2:
0x34: {  	s2 =	sadd.s32 $0xE, s2;
	(pc) =	sbr.rel @p0 .LBB2_2-.Ltmp2, $2  }
0x35: {  	_ =	sdelay $0x2  }
0x36: {  	s6 =	sadd.s32 $0x80, s6;
	s9 =	sadd.s32 s9, s17  }
0x37: {  	[tilespmem:s0], [sflag:$0x5] =	stream.linear.gather [hbm4b:s9+s5], $0x70, $0x38;
	[tilespmem:$0x10D00] =	vst v63  }
0x38: {  	_ =	swait.ge [sflag:s21], $0x70  }
0x39: {  	[sflag:s21] =	ssyncset.done $0x0  }
0x3a: {  	[sflag:s21] =	ssyncadd.s32 $0xFFFFFF90  }
0x3b: {  	_ =	swait.ge [sflag:s21], $0x70  }
0x3c: {  	[sflag:s21] =	ssyncset.done $0x0  }
0x3d: {  	[sflag:s21] =	ssyncadd.s32 $0xFFFFFF90  }
0x3e: {  	_ =	swait.ge [sflag:s21], $0x70  }
0x3f: {  	[sflag:s21] =	ssyncset.done $0x0  }
0x40: {  	[sflag:s21] =	ssyncadd.s32 $0xFFFFFF90  }
0x41: {  	_ =	swait.ge [sflag:s21], $0x70  }
0x42: {  	[sflag:s21] =	ssyncset.done $0x0  }
0x43: {  	[sflag:s21] =	ssyncadd.s32 $0xFFFFFF90  }
0x44: {  	_ =	swait.ge [sflag:s21], $0x70  }
0x45: {  	[sflag:s21] =	ssyncset.done $0x0  }
0x46: {  	[sflag:s21] =	ssyncadd.s32 $0xFFFFFF90  }
0x47: {  	_ =	swait.ge [sflag:s21], $0x70  }
0x48: {  	[sflag:s21] =	ssyncset.done $0x0  }
0x49: {  	[sflag:s21] =	ssyncadd.s32 $0xFFFFFF90  }
0x4a: {  	_ =	swait.ge [sflag:s21], $0x70  }
0x4b: {  	[sflag:s21] =	ssyncset.done $0x0  }
0x4c: {  	[sflag:s21] =	ssyncadd.s32 $0xFFFFFF90  }
0x4d: {  	_ =	swait.ge [sflag:s21], $0x70  }
0x4e: {  	[sflag:s21] =	ssyncset.done $0x0  }
0x4f: {  	[sflag:s21] =	ssyncadd.s32 $0xFFFFFF90  }
0x50: {  	_ =	swait.ge [sflag:s21], $0x70  }
0x51: {  	[sflag:s21] =	ssyncset.done $0x0  }
0x52: {  	[sflag:s21] =	ssyncadd.s32 $0xFFFFFF90  }
0x53: {  	_ =	swait.ge [sflag:s21], $0x70  }
0x54: {  	[sflag:s21] =	ssyncset.done $0x0  }
0x55: {  	[sflag:s21] =	ssyncadd.s32 $0xFFFFFF90  }
0x56: {  	_ =	swait.ge [sflag:s21], $0x70  }
0x57: {  	[sflag:s21] =	ssyncset.done $0x0  }
0x58: {  	[sflag:s21] =	ssyncadd.s32 $0xFFFFFF90  }
0x59: {  	_ =	swait.ge [sflag:s21], $0x70  }
0x5a: {  	[sflag:s21] =	ssyncset.done $0x0  }
0x5b: {  	[sflag:s21] =	ssyncadd.s32 $0xFFFFFF90  }
0x5c: {  	_ =	swait.ge [sflag:s21], $0x70  }
0x5d: {  	[sflag:s21] =	ssyncset.done $0x0  }
0x5e: {  	[sflag:s21] =	ssyncadd.s32 $0xFFFFFF90  }
0x5f: {  	_ =	swait.ge [sflag:s21], $0x70  }
0x60: {  	[sflag:s21] =	ssyncset.done $0x0  }
0x61: {  	[sflag:s21] =	ssyncadd.s32 $0xFFFFFF90  }
0x62: {  	_ =	swait.ge [sflag:s21], $0x70  }
0x63: {  	[sflag:s21] =	ssyncset.done $0x0  }
0x64: {  	[sflag:s21] =	ssyncadd.s32 $0xFFFFFF90  }
0x65: {  	_ =	swait.ge [sflag:s21], $0x70  }
0x66: {  	[sflag:s21] =	ssyncset.done $0x0  }
0x67: {  	[sflag:s21] =	ssyncadd.s32 $0xFFFFFF90  }
0x68: {  	_ =	swait.ge [sflag:s21], $0x70  }
0x69: {  	[sflag:s21] =	ssyncset.done $0x0  }
0x6a: {  	[sflag:s21] =	ssyncadd.s32 $0xFFFFFF90  }
0x6b: {  	_ =	swait.ge [sflag:s21], $0x70  }
0x6c: {  	[sflag:s21] =	ssyncset.done $0x0  }
0x6d: {  	s0 =	simm.s32 $0x0;
	s2 =	simm.s32 $0x200;
	[sflag:s21] =	ssyncadd.s32 $0xFFFFFF90  }
.LBB2_4:
0x6e: {  	p0 =	sne.s32 s2, $0x7E00;
	[tilespmem:s0+$0x7070] =	vst v0  }
0x6f: {  	[tilespmem:s0+$0x7000] =	vst v0  }
0x70: {  	[tilespmem:s0+$0x7010] =	vst v0  }
.Ltmp3:
0x71: {  	[tilespmem:s0+$0x7020] =	vst v0;
	(pc) =	sbr.rel @p0 .LBB2_4-.Ltmp3, $4  }
0x72: {  	[tilespmem:s0+$0x7030] =	vst v0  }
0x73: {  	[tilespmem:s0+$0x7040] =	vst v0  }
0x74: {  	[tilespmem:s0+$0x7050] =	vst v0  }
0x75: {  	[tilespmem:s0+$0x7060] =	vst v0;
	s0 =	sshra.s32 s2, $0x2;
	s2 =	sadd.s32 $0x200, s2  }
0x76: {  	[tilespmem:s0+$0x7070] =	vst v0  }
0x77: {  	[tilespmem:s0+$0x7000] =	vst v0  }
0x78: {  	[tilespmem:s0+$0x7010] =	vst v0  }
0x79: {  	[tilespmem:s0+$0x7020] =	vst v0  }
0x7a: {  	[tilespmem:s0+$0x7030] =	vst v0  }
0x7b: {  	[tilespmem:s0+$0x7040] =	vst v0  }
0x7c: {  	[tilespmem:s0+$0x7050] =	vst v0  }
0x7d: {  	[tilespmem:s0+$0x7060] =	vst v0  }
0x7e: {  	[spmem:s12] =	stream.linear.scatter [tilespmem:s22], [sflag:$0x6], $0x2000, $0x38;
	[tilespmem:$0x10D00] =	vst v63  }
0x7f: {  	_ =	swait.ge [sflag:s19], $0x2000  }
0x80: {  	[sflag:s19] =	ssyncset.done $0x0  }
0x81: {  	[sflag:s19] =	ssyncadd.s32 $0xFFFFE000  }
0x82: {  	[bflag:$0x0] =	sbarrier.arrive $0xFFFF  }
0x83: {  	v0 =	vld [tilespmem:$0xEC00];
	_ =	sdelay $0x2  }
0x84: {  	v6 =	vld [tilespmem:$0xEC30]  }
0x85: {  	v2 =	vld [tilespmem:$0xEC60]  }
0x86: {  	[tilespmem:$0x1FF70] =	vst v0;
	v0 =	vld [tilespmem:$0xEC10]  }
0x87: {  	v3 =	vld [tilespmem:$0xEC70]  }
0x88: {  	v4 =	vld [tilespmem:$0xEC80]  }
0x89: {  	v1 =	vld [tilespmem:$0xEC50];
	[tilespmem:$0x1FF90] =	vst v6  }
0x8a: {  	[tilespmem:$0x1FFA0] =	vst v2  }
0x8b: {  	[tilespmem:$0x1FF80] =	vst v0;
	v0 =	vld [tilespmem:$0xEC40]  }
0x8c: {  	s2 =	simm.s32 $0x0;
	s20 =	rddreg [dreg:$0x7];
	[tilespmem:$0x1FFB0] =	vst v3  }
0x8d: {  	[tilespmem:$0x1FFC0] =	vst v4;
	v13 =	vld [tilespmem:$0xEC20];
	[tilespmem:s2], [sflag:$0x1] =	stream.linear.gather [hbm4b:s20+s2], $0x3800, $0x38  }
0x8e: {  	s28 =	rddreg [dreg:$0x8];
	[tilespmem:$0x1FFE0] =	vst v1  }
0x8f: {  	[tilespmem:s23], [sflag:$0x2] =	stream.linear.gather [hbm4b:s28+s2], $0x3800, $0x38;
	[tilespmem:$0x10D00] =	vst v63  }
0x90: {  	s14 =	rddreg [dreg:$0x9];
	[tilespmem:$0x1FFD0] =	vst v0  }
.LBB2_6:
0x91: {  	_ =	swait.ge [sflag:s24], $0x3800  }
0x92: {  	p0 =	seq.s32 s2, $0x0;
	[sflag:s24] =	ssyncset.done $0x0  }
0x93: {  	s0 =	simm.s32 @!p0 $0x3;
	[sflag:s24] =	ssyncadd.s32 $0xFFFFC800  }
0x94: {  	_ =	swait.ge @!p0 [sflag:s0], $0x3800  }
0x95: {  	[sflag:s0] =	ssyncset.done @!p0 $0x0  }
0x96: {  	s16 =	simm.s32 $0x80;
	[sflag:s0] =	ssyncadd.s32 @!p0 $0xFFFFC800  }
0x97: {  	v12 =	vld [tilespmem:s16+$0x10];
	_ =	sdelay $0x4  }
0x98: {  	v61 =	vld [tilespmem:s16+$0x0];
	[tilespmem:$0x1FF10] =	vst v12  }
0x99: {  	v17 =	vld [tilespmem:s16+$0xFFFFFF80]  }
0x9a: {  	v11 =	vld [tilespmem:$0x1FF80];
	_ =	sdelay $0x1  }
0x9b: {  	v18 =	vld [tilespmem:s16+$0x20]  }
0x9c: {  	v21 =	vld [tilespmem:s16+$0x30]  }
0x9d: {  	v19 =	vld [tilespmem:s16+$0x40];
	[tilespmem:$0x1FF20] =	vst v17  }
0x9e: {  	v15 =	vmul.f32 v12, v11;
	v12 =	vld [tilespmem:s16+$0xFFFFFF90];
	_ =	sdelay $0x3  }
0x9f: {  	v10 =	vld [tilespmem:$0x1FF70]  }
0xa0: {  	v22 =	vld [tilespmem:s16+$0x50];
	[tilespmem:$0x1FF30] =	vst v12  }
0xa1: {  	v20 =	vld [tilespmem:s16+$0xFFFFFFA0];
	_ =	sdelay $0x2  }
0xa2: {  	v14 =	vmul.f32 v61, v10;
	_ =	sdelay $0x1  }
0xa3: {  	v14 =	vadd.f32 v15, v14;
	v15 =	vmul.f32 v18, v13;
	v37 =	vld [tilespmem:s16+$0x60];
	[tilespmem:$0x1FF40] =	vst v20  }
0xa4: {  	v23 =	vld [tilespmem:s16+$0xFFFFFFB0]  }
0xa5: {  	v16 =	vmul.f32 v21, v6;
	v14 =	vadd.f32 v15, v14;
	_ =	sdelay $0x1  }
0xa6: {  	v15 =	vmul.f32 v19, v0;
	v14 =	vadd.f32 v16, v14  }
0xa7: {  	v58 =	vld [tilespmem:s16+$0x70]  }
0xa8: {  	v14 =	vadd.f32 v15, v14;
	v15 =	vmul.f32 v22, v1;
	[tilespmem:$0x1FF50] =	vst v23  }
0xa9: {  	v16 =	vmul.f32 v17, v10;
	v17 =	vmul.f32 v12, v11;
	v60 =	vld [tilespmem:s16+$0xFFFFFFC0]  }
0xaa: {  	v14 =	vadd.f32 v15, v14;
	v15 =	vmul.f32 v37, v2;
	v12 =	vld [tilespmem:s16+$0xFFFFFFE0]  }
0xab: {  	v16 =	vadd.f32 v17, v16;
	v17 =	vmul.f32 v20, v13  }
0xac: {  	v14 =	vadd.f32 v15, v14;
	v15 =	vmul.f32 v58, v3;
	v59 =	vld [tilespmem:s16+$0xFFFFFFD0]  }
0xad: {  	v16 =	vadd.f32 v17, v16;
	v20 =	vmul.f32 v23, v6  }
0xae: {  	v14 =	vadd.f32 v15, v14  }
0xaf: {  	v16 =	vadd.f32 v20, v16;
	[tilespmem:$0x1FF60] =	vst v12;
	v15 =	vmul.f32 v60, v0  }
0xb0: {  	v17 =	vperm.xlane v14, v7;
	v51 =	vld [tilespmem:s16+$0xFFFFFFF0]  }
0xb1: {  	v20 =	vmul.f32 v59, v1;
	v15 =	vadd.f32 v15, v16  }
0xb2: {  	v14 =	vadd.f32 v14, v17  }
0xb3: {  	v16 =	vmul.f32 v12, v2;
	v15 =	vadd.f32 v20, v15  }
0xb4: {  	v17 =	vperm.xlane v14, v8  }
0xb5: {  	s18 =	simm.s32 $0x180;
	v20 =	vmul.f32 v51, v3;
	v15 =	vadd.f32 v16, v15  }
0xb6: {  	v26 =	vld [tilespmem:s18+$0x0];
	v16 =	vadd.f32 v14, v17  }
0xb7: {  	v23 =	vld [tilespmem:s18+$0x10];
	v17 =	vadd.f32 v20, v15  }
0xb8: {  	v20 =	vperm.xlane v16, v9  }
0xb9: {  	v15 =	vld [tilespmem:s18+$0x20];
	v25 =	vperm.xlane v17, v7  }
0xba: {  	v14 =	vld [tilespmem:s18+$0x30];
	v20 =	vadd.f32 v16, v20  }
0xbb: {  	v24 =	vld [tilespmem:s18+$0xFFFFFF80];
	v27 =	vmul.f32 v26, v10;
	v17 =	vadd.f32 v17, v25  }
0xbc: {  	v28 =	vmul.f32 v23, v11;
	v25 =	vld [tilespmem:s18+$0xFFFFFF90];
	v29 =	vperm.xlane v20, v5  }
0xbd: {  	v16 =	vld [tilespmem:s18+$0x40];
	v30 =	vperm.xlane v17, v8  }
0xbe: {  	v33 =	vld [tilespmem:s18+$0xFFFFFFA0];
	v27 =	vadd.f32 v28, v27;
	v28 =	vmul.f32 v15, v13;
	v29 =	vadd.f32 v20, v29  }
0xbf: {  	v31 =	vmul.f32 v14, v6;
	v20 =	vld [tilespmem:s18+$0x50];
	v30 =	vadd.f32 v17, v30  }
0xc0: {  	v27 =	vadd.f32 v28, v27;
	v28 =	vmul.f32 v24, v10;
	v29 =	vadd.f32 v29, v4  }
0xc1: {  	v43 =	vld [tilespmem:s18+$0xFFFFFFB0];
	v32 =	vmul.f32 v25, v11;
	v34 =	vperm.xlane v30, v9  }
0xc2: {  	v35 =	vmul.f32 v16, v0;
	v17 =	vld [tilespmem:s18+$0x60];
	v27 =	vadd.f32 v31, v27;
	v29 =	vsub.f32 $0.0e+00, v29  }
0xc3: {  	v40 =	vld [tilespmem:s18+$0xFFFFFFC0];
	v31 =	vmul.f32 v33, v13;
	v28 =	vadd.f32 v32, v28;
	v46 =	vadd.f32 v30, v34  }
0xc4: {  	v41 =	vld [tilespmem:s18+$0x70];
	v27 =	vadd.f32 v35, v27;
	v47 =	vmul.f32 v20, v1  }
0xc5: {  	v29 =	vmul.f32 $1.442695020e+00, v29;
	v28 =	vadd.f32 v31, v28;
	v31 =	vperm.xlane v46, v5  }
0xc6: {  	v48 =	vmul.f32 v43, v6;
	v30 =	vld [tilespmem:s18+$0xFFFFFFD0];
	v27 =	vadd.f32 v47, v27  }
0xc7: {  	v36 =	vld [tilespmem:s18+$0xFFFFFFE0];
	v49 =	vmul.f32 v17, v2;
	(erf) = vpow2.f32 v29;
	v29 =	vadd.f32 v46, v31  }
0xc8: {  	v39 =	vmul.f32 v40, v0;
	v28 =	vadd.f32 v48, v28  }
0xc9: {  	v27 =	vadd.f32 v49, v27;
	v31 =	vmul.f32 v41, v3;
	v29 =	vadd.f32 v29, v4  }
0xca: {  	v38 =	vld [tilespmem:s18+$0xFFFFFFF0];
	v28 =	vadd.f32 v39, v28  }
0xcb: {  	v50 =	vmul.f32 v30, v1;
	v27 =	vadd.f32 v31, v27;
	v29 =	vsub.f32 $0.0e+00, v29  }
0xcc: {  	v31 =	vmul.f32 v36, v2  }
0xcd: {  	v28 =	vadd.f32 v50, v28;
	v52 =	vperm.xlane v27, v7;
	v29 =	vmul.f32 $1.442695020e+00, v29;
	_ =	sdelay $0x1  }
0xce: {  	v53 =	vmul.f32 v38, v3;
	v28 =	vadd.f32 v31, v28;
	v27 =	vadd.f32 v27, v52;
	_ =	sdelay $0x1  }
0xcf: {  	s20 =	simm.s32 $0x280;
	v28 =	vadd.f32 v53, v28;
	(erf) = vpow2.f32 v29;
	v31 =	vperm.xlane v27, v8;
	v29 =	vpop (erf)  }
0xd0: {  	v34 =	vld [tilespmem:s20+$0x0];
	v54 =	vadd.f32 $1.000000000e+00, v29  }
0xd1: {  	v55 =	vperm.xlane v28, v7;
	v56 =	vadd.f32 v27, v31;
	v29 =	vld [tilespmem:s20+$0x10]  }
0xd2: {  	v42 =	vld [tilespmem:s20+$0xFFFFFF90];
	(erf) = vrcp.f32 v54  }
0xd3: {  	v27 =	vld [tilespmem:s20+$0x20];
	v57 =	vadd.f32 v28, v55;
	v62 =	vperm.xlane v56, v9  }
0xd4: {  	v28 =	vld [tilespmem:s20+$0x30]  }
0xd5: {  	v31 =	vld [tilespmem:s20+$0xFFFFFF80];
	v44 =	vperm.xlane v57, v8;
	v39 =	vadd.f32 v56, v62  }
0xd6: {  	v32 =	vld [tilespmem:s20+$0x40];
	v45 =	vmul.f32 v34, v10;
	v63 =	vmul.f32 v29, v11  }
0xd7: {  	s6 =	sadd.s32 $0xFFFFFFFE, s14;
	v47 =	vadd.f32 v57, v44;
	v48 =	vperm.xlane v39, v5  }
0xd8: {  	s9 =	sadd.s32 $0x3, s6;
	v35 =	vld [tilespmem:s20+$0xFFFFFFA0];
	v62 =	vmul.f32 v27, v13;
	v57 =	vmul.f32 v42, v11;
	v45 =	vadd.f32 v63, v45  }
0xd9: {  	s10 =	simm.f32 $1.000000000e+00;
	p1 =	slt.u32 s9, s8;
	v44 =	vld [tilespmem:s20+$0x50];
	v54 =	vmul.f32 v28, v6;
	v50 =	vpop (erf);
	v52 =	vperm.xlane v47, v9;
	v39 =	vadd.f32 v39, v48  }
0xda: {  	p2 =	sge.u32 s9, s7;
	s10 =	simm.s32 @!p1 $0x0;
	v46 =	vld [tilespmem:s20+$0xFFFFFFB0];
	v63 =	vmul.f32 v31, v10;
	v50 =	vadd.f32 $1.000000000e+00, v50;
	v49 =	vadd.f32 v62, v45  }
0xdb: {  	s10 =	simm.s32 @!p2 $0x0;
	v48 =	vmul.f32 v32, v0;
	v56 =	vadd.f32 v47, v52;
	v62 =	vadd.f32 v39, v4;
	v39 =	vld [tilespmem:s20+$0x60];
	v55 =	vpop (erf)  }
0xdc: {  	(erf) = vrcp.f32 v50;
	v49 =	vadd.f32 v54, v49;
	v52 =	vmul.f32 s10, v55  }
0xdd: {  	v54 =	vsub.f32 $0.0e+00, v62;
	v62 =	vadd.f32 v57, v63;
	v63 =	vmul.f32 v35, v13  }
0xde: {  	v53 =	vadd.f32 v48, v49;
	v49 =	vmul.f32 v44, v1;
	v58 =	vmul.f32 v52, v58  }
0xdf: {  	s0 =	simm.s32 $0x7080;
	v45 =	vld [tilespmem:s20+$0xFFFFFFC0];
	v57 =	vmul.f32 v46, v6;
	v55 =	vperm.xlane v56, v5;
	v62 =	vadd.f32 v63, v62  }
0xe0: {  	v63 =	vmul.f32 v39, v2;
	v49 =	vadd.f32 v49, v53;
	[tilespmem:s0+$0x70] =	vst v58  }
0xe1: {  	v55 =	vadd.f32 v56, v55;
	v56 =	vadd.f32 v57, v62;
	v62 =	vld [tilespmem:$0x1FF10]  }
0xe2: {  	v54 =	vmul.f32 $1.442695020e+00, v54;
	v53 =	vadd.f32 v63, v49;
	v63 =	vmul.f32 v52, v61  }
0xe3: {  	v50 =	vld [tilespmem:s20+$0x70]  }
0xe4: {  	s6 =	sadd.s32 $0x2, s6;
	v47 =	vld [tilespmem:s20+$0xFFFFFFD0];
	(erf) = vpow2.f32 v54;
	v54 =	vmul.f32 v45, v0;
	[tilespmem:s0+$0x0] =	vst v63  }
0xe5: {  	s9 =	simm.f32 $1.000000000e+00;
	p1 =	slt.u32 s6, s8;
	v63 =	vld [tilespmem:$0x1FF20]  }
0xe6: {  	p2 =	sge.u32 s6, s7;
	s9 =	simm.s32 @!p1 $0x0;
	v54 =	vadd.f32 v54, v56;
	v56 =	vmul.f32 v52, v62  }
0xe7: {  	s9 =	simm.s32 @!p2 $0x0;
	v48 =	vld [tilespmem:s20+$0xFFFFFFE0];
	v55 =	vadd.f32 v55, v4;
	v61 =	vpop (erf)  }
0xe8: {  	v0 =	vmul.f32 v50, v3;
	v61 =	vmul.f32 s9, v61;
	[tilespmem:s0+$0x10] =	vst v56  }
0xe9: {  	v55 =	vsub.f32 $0.0e+00, v55;
	v62 =	vld [tilespmem:$0x1FF30]  }
0xea: {  	v1 =	vmul.f32 v47, v1;
	v53 =	vadd.f32 v0, v53;
	v63 =	vmul.f32 v61, v63  }
0xeb: {  	v55 =	vmul.f32 $1.442695020e+00, v55  }
0xec: {  	v57 =	vmul.f32 v48, v2;
	v54 =	vadd.f32 v1, v54;
	v58 =	vperm.xlane v53, v7;
	[tilespmem:s0+$0xFFFFFF80] =	vst v63  }
0xed: {  	(erf) = vpow2.f32 v55;
	v55 =	vld [tilespmem:$0x1FF40]  }
0xee: {  	v54 =	vadd.f32 v57, v54;
	v57 =	vmul.f32 v61, v62;
	v62 =	vadd.f32 v53, v58;
	v58 =	vld [tilespmem:$0x1FF50];
	_ =	sdelay $0x3  }
0xef: {  	v49 =	vld [tilespmem:s20+$0xFFFFFFF0];
	v55 =	vmul.f32 v61, v55  }
0xf0: {  	[tilespmem:s0+$0xFFFFFF90] =	vst v57;
	v2 =	vmul.f32 v61, v58  }
0xf1: {  	[tilespmem:s0+$0xFFFFFFA0] =	vst v55  }
0xf2: {  	[tilespmem:s0+$0xFFFFFFB0] =	vst v2  }
0xf3: {  	v58 =	vld [tilespmem:$0x1FF60]  }
0xf4: {  	v56 =	vmul.f32 v49, v3;
	_ =	sdelay $0x1  }
0xf5: {  	v59 =	vmul.f32 v61, v59;
	v63 =	vadd.f32 v56, v54  }
0xf6: {  	s28 =	sshll.u32 s2, $0x1;
	s15 =	simm.s32 $0x4;
	s6 =	simm.s32 $0x2;
	v3 =	vpop (erf);
	v53 =	vmul.f32 v61, v60;
	v60 =	vperm.xlane v62, v8  }
0xf7: {  	s16 =	simm.s32 $0x380;
	v12 =	vmovc v5;
	s10 =	simm.s32 $0x0;
	s20 =	smul.u32 $0xE0, s2;
	v57 =	vperm.xlane v63, v7;
	v55 =	vadd.f32 $1.000000000e+00, v3;
	v56 =	vmul.f32 v61, v58  }
.LBB2_7:
0xf8: {  	v54 =	vld [tilespmem:s16+$0x0]  }
0xf9: {  	v2 =	vmul.f32 v52, v18;
	v18 =	vmov v15;
	v15 =	vmov v27;
	v27 =	vld [tilespmem:s16+$0x20]  }
0xfa: {  	v0 =	vld [tilespmem:$0x1FF70];
	v58 =	vadd.f32 v62, v60;
	[tilespmem:s0+$0xFFFFFFC0] =	vst v53  }
0xfb: {  	v51 =	vmul.f32 v61, v51;
	(erf) = vrcp.f32 v55;
	v53 =	vmovc v43;
	v55 =	vld [tilespmem:s16+$0x10];
	v43 =	vadd.f32 v63, v57;
	[tilespmem:s0+$0xFFFFFFD0] =	vst v59  }
0xfc: {  	v57 =	vld [tilespmem:s16+$0xFFFFFF80];
	v3 =	vperm.xlane v58, v9  }
0xfd: {  	v60 =	vmul.f32 v52, v21;
	v21 =	vmovc v14;
	v14 =	vmov v28;
	v28 =	vld [tilespmem:s16+$0x30];
	[tilespmem:s0+$0xFFFFFFF0] =	vst v51;
	v63 =	vperm.xlane v43, v8  }
0xfe: {  	v37 =	vmul.f32 v52, v37;
	v10 =	vmov v8;
	[tilespmem:s0+$0x20] =	vst v2;
	v61 =	vadd.f32 v58, v3;
	v3 =	vld [tilespmem:$0x1FF80]  }
0xff: {  	v11 =	vld [tilespmem:$0x1FFD0];
	v62 =	vmul.f32 v52, v19;
	v51 =	vmul.f32 v52, v22;
	[tilespmem:s0+$0x30] =	vst v60;
	v59 =	vadd.f32 v43, v63  }
0x100: {  	s9 =	smov.u32 s15;
	s18 =	sadd.s32 s10, s14;
	v19 =	vmovc v16;
	v16 =	vmov v32;
	[tilespmem:s0+$0xFFFFFFE0] =	vst v56;
	v32 =	vld [tilespmem:s16+$0x40];
	v52 =	vmul.f32 v54, v0;
	v63 =	vperm.xlane v61, v12  }
0x101: {  	s10 =	smov.u32 s6;
	s6 =	smov.u32 s9;
	s9 =	sadd.s32 $0x2, s18;
	v8 =	vmovc v7;
	v7 =	vmov v9;
	[tilespmem:s0+$0x40] =	vst v62;
	v62 =	vmul.f32 v57, v0;
	v0 =	vperm.xlane v59, v9;
	v9 =	vld [tilespmem:$0x1FFC0]  }
0x102: {  	s18 =	sadd.s32 $0x3, s18;
	p2 =	sge.u32 s9, s7;
	v56 =	vld [tilespmem:s16+$0xFFFFFF90];
	v2 =	vmov v40;
	v43 =	vmov v46;
	v46 =	vpop (erf);
	v40 =	vadd.f32 v61, v63  }
0x103: {  	p3 =	slt.u32 s9, s8;
	p4 =	slt.u32 s18, s8;
	s9 =	simm.f32 $1.000000000e+00;
	[tilespmem:s0+$0x50] =	vst v51;
	v4 =	vadd.f32 $1.000000000e+00, v46;
	v46 =	vld [tilespmem:s16+$0xFFFFFFB0];
	v60 =	vmul.f32 v55, v3  }
0x104: {  	v22 =	vmov v20;
	s9 =	simm.s32 @!p3 $0x0;
	p3 =	sge.u32 s18, s7;
	s18 =	simm.f32 $1.000000000e+00;
	[tilespmem:s0+$0x60] =	vst v37;
	v58 =	vld [tilespmem:s16+$0xFFFFFFA0]  }
0x105: {  	v20 =	vmovc v44;
	s18 =	simm.s32 @!p4 $0x0;
	v51 =	vmul.f32 v27, v13;
	v44 =	vld [tilespmem:s16+$0x50];
	v0 =	vadd.f32 v59, v0;
	v5 =	vadd.f32 v60, v52  }
0x106: {  	s18 =	simm.s32 @!p3 $0x0;
	v1 =	vpop (erf);
	v60 =	vmul.f32 v28, v6;
	v59 =	vadd.f32 v40, v9;
	v40 =	vmov v45;
	v45 =	vld [tilespmem:s16+$0xFFFFFFC0]  }
0x107: {  	v52 =	vmul.f32 s18, v1;
	v1 =	vmul.f32 v56, v3;
	v3 =	vmovc v30;
	v30 =	vmovc v47;
	v47 =	vld [tilespmem:s16+$0xFFFFFFD0];
	v51 =	vadd.f32 v51, v5  }
0x108: {  	v59 =	vsub.f32 $0.0e+00, v59;
	v63 =	vmul.f32 v46, v6;
	v6 =	vld [tilespmem:$0x1FFE0]  }
0x109: {  	v37 =	vmovc v17;
	v17 =	vmov v39;
	v39 =	vld [tilespmem:s16+$0x60];
	v51 =	vadd.f32 v60, v51;
	v60 =	vmul.f32 v52, v41  }
0x10a: {  	s0 =	sadd.s32 $0x100, s0;
	v61 =	vmul.f32 v32, v11;
	v41 =	vmov v50;
	v50 =	vld [tilespmem:s16+$0x70];
	v59 =	vmul.f32 $1.442695020e+00, v59  }
0x10b: {  	(erf) = vrcp.f32 v4;
	[tilespmem:s0+$0x70] =	vst v60;
	v60 =	vmul.f32 v45, v11;
	v11 =	vld [tilespmem:$0x1FFA0]  }
0x10c: {  	v1 =	vadd.f32 v1, v62;
	v62 =	vmul.f32 v58, v13;
	(erf) = vpow2.f32 v59  }
0x10d: {  	v5 =	vmul.f32 v44, v6;
	v59 =	vmul.f32 v47, v6;
	v6 =	vld [tilespmem:$0x1FFB0]  }
0x10e: {  	v1 =	vadd.f32 v62, v1;
	v61 =	vadd.f32 v61, v51  }
0x10f: {  	v4 =	vmov v36;
	v36 =	vmov v48;
	v48 =	vld [tilespmem:s16+$0xFFFFFFE0];
	v62 =	vperm.xlane v0, v12  }
0x110: {  	v1 =	vadd.f32 v63, v1;
	v5 =	vadd.f32 v5, v61;
	v61 =	vmul.f32 v39, v11  }
0x111: {  	v0 =	vadd.f32 v0, v62;
	v51 =	vmov v38;
	v38 =	vmov v49;
	v49 =	vld [tilespmem:s16+$0xFFFFFFF0]  }
0x112: {  	v1 =	vadd.f32 v60, v1;
	v5 =	vadd.f32 v61, v5;
	v61 =	vmul.f32 v50, v6  }
0x113: {  	v62 =	vmul.f32 v52, v26;
	v0 =	vadd.f32 v0, v9  }
0x114: {  	s9 =	simm.s32 @!p2 $0x0;
	v63 =	vpop (erf);
	v1 =	vadd.f32 v59, v1;
	v60 =	vmul.f32 v48, v11;
	v5 =	vadd.f32 v61, v5  }
0x115: {  	v9 =	vmovc v7;
	v7 =	vmov v8;
	[tilespmem:s0+$0x0] =	vst v62;
	v62 =	vmul.f32 v52, v23;
	v61 =	vmul.f32 s9, v63  }
0x116: {  	s15 =	sadd.s32 $0x2, s15;
	v26 =	vmovc v34;
	v6 =	vmul.f32 v49, v6;
	v1 =	vadd.f32 v60, v1;
	v63 =	vperm.xlane v5, v7  }
0x117: {  	p1 =	slt.u32 s15, $0x6E;
	v0 =	vsub.f32 $0.0e+00, v0;
	v59 =	vmul.f32 v61, v24;
	v24 =	vmovc v31;
	v31 =	vmovc v57;
	v57 =	vmul.f32 v61, v25  }
.Ltmp4:
0x118: {  	[tilespmem:s0+$0x10] =	vst v62;
	v62 =	vadd.f32 v5, v63;
	v5 =	vmul.f32 v61, v33;
	v33 =	vmul.f32 v61, v53;
	(pc) =	sbr.rel @p1 .LBB2_7-.Ltmp4, $4  }
0x119: {  	v34 =	vmovc v54;
	v8 =	vmovc v10;
	v23 =	vmov v29;
	v11 =	vmul.f32 $1.442695020e+00, v0;
	[tilespmem:s0+$0xFFFFFF80] =	vst v59;
	v63 =	vadd.f32 v6, v1  }
0x11a: {  	v25 =	vmovc v42;
	v42 =	vmov v56;
	v56 =	vmul.f32 v61, v4;
	[tilespmem:s0+$0xFFFFFF90] =	vst v57;
	v53 =	vmul.f32 v61, v2  }
0x11b: {  	v29 =	vmov v55;
	v59 =	vpop (erf);
	v60 =	vperm.xlane v62, v10;
	[tilespmem:s0+$0xFFFFFFA0] =	vst v5;
	v57 =	vperm.xlane v63, v7  }
0x11c: {  	s16 =	sadd.s32 $0x100, s16;
	(erf) = vpow2.f32 v11;
	v6 =	vld [tilespmem:$0x1FF90];
	[tilespmem:s0+$0xFFFFFFB0] =	vst v33;
	v55 =	vadd.f32 $1.000000000e+00, v59;
	v59 =	vmul.f32 v61, v3;
	v33 =	vmovc v35;
	v35 =	vmovc v58  }
0x11d: {  	v0 =	vadd.f32 v63, v57;
	v1 =	vadd.f32 v62, v60;
	_ =	sdelay $0x1  }
0x11e: {  	v2 =	vperm.xlane v0, v8;
	v3 =	vperm.xlane v1, v9;
	_ =	sdelay $0x1  }
0x11f: {  	v0 =	vadd.f32 v0, v2;
	v1 =	vadd.f32 v1, v3  }
0x120: {  	v63 =	vld [tilespmem:$0x1FFC0]  }
0x121: {  	v2 =	vperm.xlane v0, v9;
	v3 =	vperm.xlane v1, v12;
	_ =	sdelay $0x1  }
0x122: {  	v0 =	vadd.f32 v0, v2;
	v1 =	vadd.f32 v1, v3;
	_ =	sdelay $0x1  }
0x123: {  	v2 =	vperm.xlane v0, v12;
	v1 =	vadd.f32 v1, v63;
	_ =	sdelay $0x1  }
0x124: {  	(erf) = vrcp.f32 v55;
	v4 =	vpop (erf);
	v0 =	vadd.f32 v0, v2;
	v1 =	vsub.f32 $0.0e+00, v1  }
0x125: {  	v2 =	vadd.f32 $1.000000000e+00, v4  }
0x126: {  	v0 =	vadd.f32 v0, v63;
	v1 =	vmul.f32 $1.442695020e+00, v1  }
0x127: {  	(erf) = vrcp.f32 v2  }
0x128: {  	v0 =	vsub.f32 $0.0e+00, v0;
	(erf) = vpow2.f32 v1  }
0x129: {  	[tilespmem:s0+$0xFFFFFFC0] =	vst v53;
	s9 =	sadd.s32 s10, s14  }
0x12a: {  	v5 =	vmul.f32 v61, v51;
	[tilespmem:s0+$0xFFFFFFE0] =	vst v56;
	s10 =	sadd.s32 $0x3, s9;
	v0 =	vmul.f32 $1.442695020e+00, v0  }
0x12b: {  	v51 =	vmul.f32 v52, v18;
	s15 =	simm.f32 $1.000000000e+00;
	[tilespmem:s0+$0xFFFFFFD0] =	vst v59;
	p1 =	slt.u32 s10, s8  }
0x12c: {  	v53 =	vmul.f32 v52, v21;
	[tilespmem:s0+$0xFFFFFFF0] =	vst v5;
	p2 =	sge.u32 s10, s7;
	s15 =	simm.s32 @!p1 $0x0;
	(erf) = vpow2.f32 v0  }
0x12d: {  	v56 =	vmul.f32 v52, v22;
	[tilespmem:s0+$0x20] =	vst v51;
	s15 =	simm.s32 @!p2 $0x0;
	v54 =	vpop (erf)  }
0x12e: {  	v57 =	vmul.f32 v52, v37;
	[tilespmem:s0+$0x30] =	vst v53;
	v0 =	vmul.f32 s15, v54  }
0x12f: {  	v55 =	vmul.f32 v52, v19;
	[tilespmem:s0+$0x50] =	vst v56  }
0x130: {  	[tilespmem:s0+$0x60] =	vst v57;
	v59 =	vmul.f32 v0, v41;
	v58 =	vpop (erf)  }
0x131: {  	s16 =	sadd.s32 $0x100, s0;
	[tilespmem:s0+$0x40] =	vst v55;
	v60 =	vmul.f32 v0, v26;
	v4 =	vpop (erf)  }
0x132: {  	s9 =	sadd.s32 $0x2, s9;
	v61 =	vmul.f32 v0, v23;
	[tilespmem:s16+$0x70] =	vst v59;
	v4 =	vadd.f32 $1.000000000e+00, v4  }
0x133: {  	s10 =	simm.f32 $1.000000000e+00;
	p1 =	slt.u32 s9, s8;
	v55 =	vmul.f32 v0, v15;
	[tilespmem:s16+$0x0] =	vst v60  }
0x134: {  	p2 =	sge.u32 s9, s7;
	s10 =	simm.s32 @!p1 $0x0;
	v56 =	vmul.f32 v0, v14;
	[tilespmem:s16+$0x10] =	vst v61;
	(erf) = vrcp.f32 v4  }
0x135: {  	s10 =	simm.s32 @!p2 $0x0;
	v57 =	vmul.f32 v0, v16;
	[tilespmem:s16+$0x20] =	vst v55;
	v37 =	vpop (erf)  }
0x136: {  	v3 =	vmul.f32 s10, v58;
	v59 =	vmul.f32 v0, v20;
	[tilespmem:s16+$0x30] =	vst v56;
	v2 =	vadd.f32 $1.000000000e+00, v37  }
0x137: {  	v0 =	vmul.f32 v0, v17;
	[tilespmem:s16+$0x40] =	vst v57  }
0x138: {  	v62 =	vmul.f32 v3, v24;
	[tilespmem:s16+$0x50] =	vst v59;
	(erf) = vrcp.f32 v2  }
0x139: {  	s6 =	sadd.s32 s6, s14;
	v5 =	vmul.f32 v3, v25;
	[tilespmem:s16+$0x60] =	vst v0  }
0x13a: {  	s18 =	sadd.s32 $0x3, s6;
	v41 =	vmul.f32 v3, v33;
	[tilespmem:s16+$0xFFFFFF80] =	vst v62  }
0x13b: {  	p1 =	slt.u32 s18, s8;
	s10 =	simm.f32 $1.000000000e+00;
	v51 =	vmul.f32 v3, v43;
	[tilespmem:s16+$0xFFFFFF90] =	vst v5  }
0x13c: {  	p2 =	sge.u32 s18, s7;
	s10 =	simm.s32 @!p1 $0x0;
	v52 =	vmul.f32 v3, v40;
	[tilespmem:s16+$0xFFFFFFA0] =	vst v41  }
0x13d: {  	v53 =	vmul.f32 v3, v30;
	s10 =	simm.s32 @!p2 $0x0;
	[tilespmem:s16+$0xFFFFFFB0] =	vst v51;
	v58 =	vpop (erf)  }
0x13e: {  	s6 =	sadd.s32 $0x2, s6;
	v54 =	vmul.f32 v3, v36;
	[tilespmem:s16+$0xFFFFFFC0] =	vst v52;
	v1 =	vmul.f32 s10, v58  }
0x13f: {  	s9 =	simm.f32 $1.000000000e+00;
	p1 =	slt.u32 s6, s8;
	v3 =	vmul.f32 v3, v38;
	[tilespmem:s16+$0xFFFFFFD0] =	vst v53  }
0x140: {  	p2 =	sge.u32 s6, s7;
	s9 =	simm.s32 @!p1 $0x0;
	[tilespmem:s16+$0xFFFFFFE0] =	vst v54;
	v60 =	vmul.f32 v1, v50  }
0x141: {  	s0 =	sadd.s32 $0x100, s16;
	s9 =	simm.s32 @!p2 $0x0;
	[tilespmem:s16+$0xFFFFFFF0] =	vst v3;
	v62 =	vmul.f32 v1, v34;
	v61 =	vpop (erf)  }
0x142: {  	v33 =	vmul.f32 v1, v29;
	v3 =	vmul.f32 s9, v61;
	[tilespmem:s0+$0x70] =	vst v60  }
0x143: {  	v43 =	vmul.f32 v1, v27;
	[tilespmem:s0+$0x0] =	vst v62  }
0x144: {  	[tilespmem:s0+$0x10] =	vst v33;
	v34 =	vmul.f32 v3, v31  }
0x145: {  	[tilespmem:s0+$0x20] =	vst v43;
	v36 =	vmul.f32 v3, v42  }
0x146: {  	v37 =	vmul.f32 v3, v35;
	[tilespmem:s0+$0xFFFFFF80] =	vst v34  }
0x147: {  	v38 =	vmul.f32 v3, v46;
	[tilespmem:s0+$0xFFFFFF90] =	vst v36  }
0x148: {  	v40 =	vmul.f32 v3, v45;
	[tilespmem:s0+$0xFFFFFFA0] =	vst v37  }
0x149: {  	v41 =	vmul.f32 v3, v47;
	[tilespmem:s0+$0xFFFFFFB0] =	vst v38  }
0x14a: {  	v42 =	vmul.f32 v3, v48;
	[tilespmem:s0+$0xFFFFFFC0] =	vst v40  }
0x14b: {  	v3 =	vmul.f32 v3, v49;
	[tilespmem:s0+$0xFFFFFFD0] =	vst v41  }
0x14c: {  	v45 =	vmul.f32 v1, v28;
	[tilespmem:s0+$0xFFFFFFE0] =	vst v42  }
0x14d: {  	v46 =	vmul.f32 v1, v32;
	[tilespmem:s0+$0xFFFFFFF0] =	vst v3  }
0x14e: {  	p1 =	seq.s32 s2, $0x8;
	v47 =	vmul.f32 v1, v44;
	[tilespmem:s0+$0x30] =	vst v45  }
0x14f: {  	s6 =	sadd.s32 @!p1 s20, s11;
	v1 =	vmul.f32 v1, v39;
	[tilespmem:s0+$0x40] =	vst v46  }
0x150: {  	s6 =	sshll.u32 @!p1 s6, $0x4;
	[tilespmem:s0+$0x50] =	vst v47  }
0x151: {  	[tilespmem:s0+$0x60] =	vst v1;
	s0 =	sadd.s32 @!p1 s1, s6;
	s6 =	simm.s32 @!p1 $0x0  }
0x152: {  	[tilespmem:s6], [sflag:$0x1] =	stream.linear.gather @!p1 [hbm4b:s0+s6], $0x3800, $0x38;
	[tilespmem:$0x10D00] =	vst v63  }
0x153: {  	s6 =	sshll.u32 s2, $0x8  }
0x154: {  	s0 =	sand.u32 $0x3FFFFF00, s6  }
0x155: {  	s0 =	sadd.s32 $0xE000, s0  }
0x156: {  	[spmem:s4] =	stream.indirect.scatter.add.f32 [tilespmem:s22], [sflag:$0x3], $0x80, s0, s25, $0xb8;
	[tilespmem:$0x10D00] =	vst v63  }
0x157: {  	_ =	swait.ge [sflag:s26], $0x3800  }
0x158: {  	[sflag:s26] =	ssyncset.done $0x0  }
0x159: {  	s0 =	simm.s32 @!p0 $0x4;
	[sflag:s26] =	ssyncadd.s32 $0xFFFFC800  }
0x15a: {  	_ =	swait.ge @!p0 [sflag:s0], $0x3800  }
0x15b: {  	[sflag:s0] =	ssyncset.done @!p0 $0x0  }
0x15c: {  	s9 =	simm.s32 $0x3880;
	[sflag:s0] =	ssyncadd.s32 @!p0 $0xFFFFC800  }
0x15d: {  	v48 =	vld [tilespmem:s9+$0x10];
	_ =	sdelay $0x1  }
0x15e: {  	v54 =	vld [tilespmem:$0x1FF70]  }
0x15f: {  	v58 =	vld [tilespmem:$0x1FF80]  }
0x160: {  	v10 =	vld [tilespmem:$0x1FFD0]  }
0x161: {  	v61 =	vld [tilespmem:s9+$0x0];
	[tilespmem:$0x1FEE0] =	vst v48  }
0x162: {  	v14 =	vld [tilespmem:s9+$0xFFFFFF90]  }
0x163: {  	v49 =	vld [tilespmem:s9+$0x20]  }
0x164: {  	v50 =	vld [tilespmem:s9+$0x30]  }
0x165: {  	v57 =	vld [tilespmem:s9+$0x40]  }
0x166: {  	v55 =	vld [tilespmem:s9+$0xFFFFFF80]  }
0x167: {  	v51 =	vmul.f32 v61, v54;
	v1 =	vmul.f32 v48, v58;
	v60 =	vld [tilespmem:s9+$0x50];
	[tilespmem:$0x1FEF0] =	vst v14  }
0x168: {  	v15 =	vld [tilespmem:s9+$0xFFFFFFA0]  }
0x169: {  	v0 =	vadd.f32 v1, v51;
	v59 =	vmul.f32 v49, v13  }
0x16a: {  	v11 =	vld [tilespmem:$0x1FFE0]  }
0x16b: {  	v62 =	vmul.f32 v50, v6;
	v35 =	vmul.f32 v14, v58;
	v14 =	vld [tilespmem:$0x1FFA0];
	v0 =	vadd.f32 v59, v0  }
0x16c: {  	v37 =	vld [tilespmem:s9+$0x60]  }
0x16d: {  	v53 =	vld [tilespmem:$0x1FFB0];
	v32 =	vmul.f32 v57, v10;
	v0 =	vadd.f32 v62, v0;
	[tilespmem:$0x1FF00] =	vst v15  }
0x16e: {  	v19 =	vmov v49;
	v49 =	vld [tilespmem:s9+$0x70]  }
0x16f: {  	v21 =	vmov v57;
	v33 =	vmul.f32 v60, v11;
	v0 =	vadd.f32 v32, v0;
	v57 =	vld [tilespmem:s9+$0xFFFFFFB0]  }
0x170: {  	v34 =	vmul.f32 v55, v54  }
0x171: {  	v16 =	vmov v60;
	v36 =	vmul.f32 v37, v14;
	v60 =	vld [tilespmem:s9+$0xFFFFFFC0];
	v0 =	vadd.f32 v33, v0  }
0x172: {  	v2 =	vadd.f32 v35, v34;
	v38 =	vmul.f32 v15, v13  }
0x173: {  	v59 =	vld [tilespmem:s9+$0xFFFFFFD0];
	v0 =	vadd.f32 v36, v0;
	v39 =	vmul.f32 v49, v53  }
0x174: {  	v2 =	vadd.f32 v38, v2;
	v40 =	vmul.f32 v57, v6  }
0x175: {  	v56 =	vld [tilespmem:s9+$0xFFFFFFE0];
	v0 =	vadd.f32 v39, v0  }
0x176: {  	v41 =	vmul.f32 v60, v10;
	v2 =	vadd.f32 v40, v2  }
0x177: {  	v51 =	vld [tilespmem:s9+$0xFFFFFFF0];
	v42 =	vperm.xlane v0, v7  }
0x178: {  	v43 =	vmul.f32 v59, v11;
	v1 =	vadd.f32 v41, v2  }
0x179: {  	v0 =	vadd.f32 v0, v42  }
0x17a: {  	v44 =	vmul.f32 v56, v14;
	v1 =	vadd.f32 v43, v1  }
0x17b: {  	s10 =	simm.s32 $0x3980;
	v3 =	vperm.xlane v0, v8  }
0x17c: {  	v26 =	vld [tilespmem:s10+$0x0];
	v45 =	vmul.f32 v51, v53;
	v1 =	vadd.f32 v44, v1  }
0x17d: {  	v23 =	vld [tilespmem:s10+$0x10];
	v0 =	vadd.f32 v0, v3  }
0x17e: {  	v15 =	vld [tilespmem:s10+$0x20];
	v1 =	vadd.f32 v45, v1  }
0x17f: {  	v24 =	vld [tilespmem:s10+$0xFFFFFF80];
	v46 =	vperm.xlane v0, v9  }
0x180: {  	v17 =	vld [tilespmem:s10+$0x30];
	v47 =	vperm.xlane v1, v7  }
0x181: {  	v25 =	vld [tilespmem:s10+$0xFFFFFF90];
	v0 =	vadd.f32 v0, v46  }
0x182: {  	v20 =	vmovc v50;
	v27 =	vld [tilespmem:s10+$0x40];
	v48 =	vmul.f32 v26, v54;
	v50 =	vmul.f32 v23, v58;
	v1 =	vadd.f32 v1, v47  }
0x183: {  	v52 =	vperm.xlane v0, v12  }
0x184: {  	v33 =	vld [tilespmem:s10+$0xFFFFFFA0];
	[tilespmem:$0x1FED0] =	vst v15;
	v36 =	vmul.f32 v15, v13;
	v2 =	vadd.f32 v50, v48;
	v62 =	vperm.xlane v1, v8  }
0x185: {  	v18 =	vld [tilespmem:s10+$0x50];
	v0 =	vadd.f32 v0, v52  }
0x186: {  	v15 =	vmovc v17;
	v38 =	vmul.f32 v17, v6;
	v43 =	vld [tilespmem:s10+$0xFFFFFFB0];
	v2 =	vadd.f32 v36, v2;
	v1 =	vadd.f32 v1, v62  }
0x187: {  	v17 =	vmovc v27;
	v40 =	vld [tilespmem:s10+$0xFFFFFFC0];
	v44 =	vmul.f32 v24, v54;
	v45 =	vmul.f32 v25, v58;
	v0 =	vadd.f32 v0, v63  }
0x188: {  	v27 =	vmul.f32 v27, v10;
	v28 =	vld [tilespmem:s10+$0x60];
	v48 =	vmovc v6;
	v2 =	vadd.f32 v38, v2;
	v6 =	vperm.xlane v1, v9  }
0x189: {  	v30 =	vld [tilespmem:s10+$0xFFFFFFD0];
	v3 =	vadd.f32 v45, v44;
	v46 =	vmul.f32 v33, v13;
	v0 =	vsub.f32 $0.0e+00, v0  }
0x18a: {  	v41 =	vld [tilespmem:s10+$0x70];
	v2 =	vadd.f32 v27, v2;
	v47 =	vmul.f32 v18, v11;
	v1 =	vadd.f32 v1, v6  }
0x18b: {  	v3 =	vadd.f32 v46, v3;
	v6 =	vmul.f32 v43, v48;
	v0 =	vmul.f32 $1.442695020e+00, v0  }
0x18c: {  	v36 =	vld [tilespmem:s10+$0xFFFFFFE0];
	v27 =	vmul.f32 v40, v10;
	v2 =	vadd.f32 v47, v2;
	v50 =	vperm.xlane v1, v12  }
0x18d: {  	v52 =	vmul.f32 v28, v14;
	v62 =	vadd.f32 v6, v3;
	(erf) = vpow2.f32 v0  }
0x18e: {  	v34 =	vmul.f32 v30, v11;
	v38 =	vld [tilespmem:s10+$0xFFFFFFF0];
	v1 =	vadd.f32 v1, v50  }
0x18f: {  	v32 =	vmul.f32 v41, v53;
	v2 =	vadd.f32 v52, v2;
	v0 =	vadd.f32 v27, v62  }
0x190: {  	v1 =	vadd.f32 v1, v63  }
0x191: {  	v35 =	vmul.f32 v36, v14;
	v2 =	vadd.f32 v32, v2;
	v0 =	vadd.f32 v34, v0  }
0x192: {  	v1 =	vsub.f32 $0.0e+00, v1  }
0x193: {  	v42 =	vmul.f32 v38, v53;
	v39 =	vperm.xlane v2, v7;
	v0 =	vadd.f32 v35, v0  }
0x194: {  	v1 =	vmul.f32 $1.442695020e+00, v1  }
0x195: {  	s15 =	simm.s32 $0x3A80;
	v2 =	vadd.f32 v2, v39;
	v0 =	vadd.f32 v42, v0  }
0x196: {  	v29 =	vld [tilespmem:s15+$0x10];
	(erf) = vpow2.f32 v1;
	v44 =	vpop (erf)  }
0x197: {  	v45 =	vperm.xlane v2, v8;
	v34 =	vld [tilespmem:s15+$0x0];
	v46 =	vperm.xlane v0, v7;
	v1 =	vadd.f32 $1.000000000e+00, v44;
	_ =	sdelay $0x1  }
0x198: {  	v27 =	vld [tilespmem:s15+$0x20];
	v2 =	vadd.f32 v2, v45;
	v0 =	vadd.f32 v0, v46;
	(erf) = vrcp.f32 v1;
	_ =	sdelay $0x1  }
0x199: {  	v22 =	vmovc v18;
	v18 =	vmov v28;
	v28 =	vld [tilespmem:s15+$0x30];
	v47 =	vperm.xlane v2, v9;
	v50 =	vperm.xlane v0, v8  }
0x19a: {  	v31 =	vld [tilespmem:s15+$0xFFFFFF80];
	v62 =	vmul.f32 v29, v58;
	v52 =	vmul.f32 v34, v54  }
0x19b: {  	v42 =	vld [tilespmem:s15+$0xFFFFFF90];
	v1 =	vadd.f32 v2, v47  }
0x19c: {  	s16 =	sadd.s32 $0xFFFFFFFE, s14;
	v32 =	vld [tilespmem:s15+$0x40];
	v2 =	vadd.f32 v62, v52;
	v52 =	vmul.f32 v27, v13  }
0x19d: {  	s18 =	sadd.s32 $0x73, s16;
	v35 =	vld [tilespmem:s15+$0xFFFFFFA0];
	v0 =	vadd.f32 v0, v50;
	v39 =	vperm.xlane v1, v12;
	v50 =	vpop (erf)  }
0x19e: {  	p0 =	slt.u32 s18, s8;
	s10 =	simm.f32 $1.000000000e+00;
	v4 =	vmul.f32 v28, v48;
	v2 =	vadd.f32 v52, v2;
	v5 =	vadd.f32 $1.000000000e+00, v50  }
0x19f: {  	p2 =	sge.u32 s18, s7;
	s10 =	simm.s32 @!p0 $0x0;
	v47 =	vmul.f32 v31, v54;
	v6 =	vperm.xlane v0, v9;
	v1 =	vadd.f32 v1, v39  }
0x1a0: {  	s10 =	simm.s32 @!p2 $0x0;
	v2 =	vadd.f32 v4, v2;
	v50 =	vmul.f32 v42, v58;
	(erf) = vrcp.f32 v5;
	v62 =	vpop (erf)  }
0x1a1: {  	v44 =	vld [tilespmem:s15+$0x50];
	v0 =	vadd.f32 v0, v6;
	v52 =	vmul.f32 s10, v62;
	v62 =	vmul.f32 v32, v10  }
0x1a2: {  	v46 =	vld [tilespmem:s15+$0xFFFFFFB0];
	v4 =	vadd.f32 v50, v47;
	v5 =	vmul.f32 v35, v13  }
0x1a3: {  	v39 =	vld [tilespmem:s15+$0x60];
	v1 =	vadd.f32 v1, v63;
	v2 =	vadd.f32 v62, v2;
	v62 =	vperm.xlane v0, v12  }
0x1a4: {  	v45 =	vld [tilespmem:s15+$0xFFFFFFC0];
	v4 =	vadd.f32 v5, v4;
	v5 =	vmul.f32 v52, v49  }
0x1a5: {  	s0 =	simm.s32 $0xA880;
	v1 =	vsub.f32 $0.0e+00, v1;
	v50 =	vld [tilespmem:s15+$0x70];
	v0 =	vadd.f32 v0, v62  }
0x1a6: {  	v3 =	vmul.f32 v44, v11;
	v47 =	vld [tilespmem:s15+$0xFFFFFFD0];
	[tilespmem:s0+$0x70] =	vst v5  }
0x1a7: {  	s6 =	sadd.s32 $0x72, s16;
	v6 =	vmul.f32 v46, v48;
	v1 =	vmul.f32 $1.442695020e+00, v1;
	v0 =	vadd.f32 v0, v63;
	v63 =	vld [tilespmem:$0x1FEE0]  }
0x1a8: {  	s9 =	simm.f32 $1.000000000e+00;
	p0 =	slt.u32 s6, s8;
	v2 =	vadd.f32 v3, v2;
	v3 =	vmul.f32 v39, v14  }
0x1a9: {  	p2 =	sge.u32 s6, s7;
	s9 =	simm.s32 @!p0 $0x0;
	(erf) = vpow2.f32 v1;
	v1 =	vmul.f32 v45, v10;
	v4 =	vadd.f32 v6, v4  }
0x1aa: {  	s9 =	simm.s32 @!p2 $0x0;
	v62 =	vmul.f32 v52, v61;
	v2 =	vadd.f32 v3, v2;
	v3 =	vmul.f32 v50, v53;
	v61 =	vpop (erf)  }
0x1ab: {  	v6 =	vmul.f32 v47, v11;
	v1 =	vadd.f32 v1, v4;
	v61 =	vmul.f32 s9, v61  }
0x1ac: {  	v48 =	vld [tilespmem:s15+$0xFFFFFFE0];
	v2 =	vadd.f32 v3, v2;
	v4 =	vmul.f32 v52, v63  }
0x1ad: {  	v49 =	vld [tilespmem:s15+$0xFFFFFFF0];
	v1 =	vadd.f32 v6, v1;
	[tilespmem:s0+$0x0] =	vst v62;
	v6 =	vmul.f32 v61, v55  }
0x1ae: {  	v63 =	vperm.xlane v2, v7;
	[tilespmem:s0+$0x10] =	vst v4  }
0x1af: {  	v4 =	vld [tilespmem:$0x1FEF0];
	[tilespmem:s0+$0xFFFFFF80] =	vst v6  }
0x1b0: {  	v62 =	vadd.f32 v2, v63;
	v63 =	vld [tilespmem:$0x1FF00]  }
0x1b1: {  	v3 =	vmul.f32 v48, v14;
	v0 =	vsub.f32 $0.0e+00, v0  }
0x1b2: {  	v55 =	vmul.f32 v49, v53  }
0x1b3: {  	v0 =	vmul.f32 $1.442695020e+00, v0;
	v1 =	vadd.f32 v3, v1;
	v5 =	vmul.f32 v61, v57  }
0x1b4: {  	v9 =	vmovc v8;
	v10 =	vmov v12;
	v53 =	vmul.f32 v61, v60;
	v4 =	vmul.f32 v61, v4  }
0x1b5: {  	v12 =	vmovc v58;
	(erf) = vpow2.f32 v0;
	[tilespmem:s0+$0xFFFFFFB0] =	vst v5;
	v0 =	vmul.f32 v61, v63;
	v63 =	vadd.f32 v55, v1  }
0x1b6: {  	s28 =	sor.u32 $0x1, s28;
	s16 =	simm.s32 $0x3B80;
	v11 =	vmov v54;
	v57 =	vmul.f32 v61, v59;
	v56 =	vmul.f32 v61, v56;
	v55 =	vpop (erf);
	[tilespmem:s0+$0xFFFFFF90] =	vst v4  }
0x1b7: {  	s6 =	simm.s32 $0x2;
	s10 =	simm.s32 $0x0;
	s15 =	simm.s32 $0x4;
	v60 =	vperm.xlane v62, v8;
	v8 =	vmovc v7;
	v55 =	vadd.f32 $1.000000000e+00, v55;
	[tilespmem:s0+$0xFFFFFFA0] =	vst v0;
	v59 =	vperm.xlane v63, v7  }
.LBB2_9:
0x1b8: {  	v54 =	vld [tilespmem:s16+$0x0]  }
0x1b9: {  	v7 =	vld [tilespmem:$0x1FED0]  }
0x1ba: {  	v14 =	vld [tilespmem:$0x1FFF0]  }
0x1bb: {  	v4 =	vmul.f32 v52, v20;
	v20 =	vmov v15;
	v15 =	vmov v28;
	v28 =	vld [tilespmem:s16+$0x30];
	[tilespmem:s0+$0xFFFFFFC0] =	vst v53  }
0x1bc: {  	v1 =	vmul.f32 v61, v51;
	(erf) = vrcp.f32 v55;
	v55 =	vld [tilespmem:s16+$0x10];
	[tilespmem:s0+$0xFFFFFFD0] =	vst v57  }
0x1bd: {  	v2 =	vadd.f32 v63, v59;
	v57 =	vld [tilespmem:s16+$0xFFFFFF80];
	[tilespmem:s0+$0xFFFFFFE0] =	vst v56  }
0x1be: {  	v3 =	vmul.f32 v52, v19;
	[tilespmem:s0+$0xFFFFFFF0] =	vst v1;
	v1 =	vmul.f32 v52, v16;
	v19 =	vmovc v7;
	v7 =	vmov v27;
	v27 =	vld [tilespmem:s16+$0x20]  }
0x1bf: {  	v0 =	vadd.f32 v62, v60;
	v56 =	vld [tilespmem:s16+$0xFFFFFF90];
	[tilespmem:$0x1FED0] =	vst v7;
	v7 =	vperm.xlane v2, v9  }
0x1c0: {  	v6 =	vmul.f32 v52, v21;
	v21 =	vmovc v17;
	v53 =	vmov v43;
	v43 =	vmov v46;
	v58 =	vld [tilespmem:s16+$0xFFFFFFA0];
	[tilespmem:s0+$0x20] =	vst v3  }
0x1c1: {  	s9 =	smov.u32 s15;
	s18 =	sadd.s32 s10, s14;
	v46 =	vld [tilespmem:s16+$0xFFFFFFB0];
	v5 =	vperm.xlane v0, v14;
	v3 =	vmul.f32 v52, v37;
	[tilespmem:s0+$0x30] =	vst v4;
	v2 =	vadd.f32 v2, v7  }
0x1c2: {  	v17 =	vmovc v32;
	s10 =	smov.u32 s6;
	s6 =	smov.u32 s9;
	s9 =	sadd.s32 $0x72, s18;
	v60 =	vmul.f32 v54, v11;
	v32 =	vld [tilespmem:s16+$0x40];
	v61 =	vmul.f32 v55, v12;
	[tilespmem:s0+$0x50] =	vst v1;
	v1 =	vmov v40  }
0x1c3: {  	s18 =	sadd.s32 $0x73, s18;
	p2 =	sge.u32 s9, s7;
	[tilespmem:s0+$0x40] =	vst v6;
	v0 =	vadd.f32 v0, v5;
	v62 =	vpop (erf);
	v63 =	vperm.xlane v2, v14;
	v40 =	vmul.f32 v27, v13;
	v14 =	vld [tilespmem:$0x1FF90]  }
0x1c4: {  	p3 =	slt.u32 s9, s8;
	p4 =	slt.u32 s18, s8;
	s9 =	simm.f32 $1.000000000e+00;
	[tilespmem:s0+$0x60] =	vst v3;
	v37 =	vadd.f32 $1.000000000e+00, v62;
	v62 =	vld [tilespmem:$0x1FFC0]  }
0x1c5: {  	v16 =	vmovc v22;
	v22 =	vmov v44;
	s9 =	simm.s32 @!p3 $0x0;
	p3 =	sge.u32 s18, s7;
	s18 =	simm.f32 $1.000000000e+00;
	v4 =	vadd.f32 v61, v60;
	v44 =	vld [tilespmem:s16+$0x50];
	v7 =	vperm.xlane v0, v10  }
0x1c6: {  	s18 =	simm.s32 @!p4 $0x0;
	v6 =	vmul.f32 v57, v11;
	v5 =	vmul.f32 v56, v12;
	v2 =	vadd.f32 v2, v63;
	v63 =	vld [tilespmem:$0x1FFD0]  }
0x1c7: {  	s18 =	simm.s32 @!p3 $0x0;
	v59 =	vpop (erf);
	v0 =	vadd.f32 v0, v7;
	v4 =	vadd.f32 v40, v4;
	v40 =	vmov v45;
	v45 =	vld [tilespmem:s16+$0xFFFFFFC0]  }
0x1c8: {  	v5 =	vadd.f32 v5, v6;
	v52 =	vmul.f32 s18, v59;
	v59 =	vmovc v30;
	v30 =	vmovc v47;
	v47 =	vld [tilespmem:s16+$0xFFFFFFD0];
	v3 =	vmul.f32 v28, v14  }
0x1c9: {  	v6 =	vmul.f32 v58, v13;
	(erf) = vrcp.f32 v37;
	v37 =	vmovc v18;
	v18 =	vmovc v39;
	v39 =	vld [tilespmem:s16+$0x60];
	v0 =	vadd.f32 v0, v62  }
0x1ca: {  	v60 =	vmul.f32 v46, v14;
	v14 =	vld [tilespmem:$0x1FFE0];
	v3 =	vadd.f32 v3, v4;
	v4 =	vmul.f32 v52, v41  }
0x1cb: {  	s0 =	sadd.s32 $0x100, s0;
	v0 =	vsub.f32 $0.0e+00, v0;
	v41 =	vmov v50;
	v50 =	vld [tilespmem:s16+$0x70]  }
0x1cc: {  	v51 =	vmul.f32 v32, v63;
	[tilespmem:s0+$0x70] =	vst v4;
	v4 =	vadd.f32 v6, v5;
	v5 =	vmul.f32 v45, v63;
	v63 =	vld [tilespmem:$0x1FFA0];
	_ =	sdelay $0x1  }
0x1cd: {  	v0 =	vmul.f32 $1.442695020e+00, v0  }
0x1ce: {  	v3 =	vadd.f32 v51, v3;
	v6 =	vperm.xlane v2, v10;
	v61 =	vmul.f32 v44, v14  }
0x1cf: {  	(erf) = vpow2.f32 v0;
	v0 =	vadd.f32 v60, v4;
	v4 =	vmul.f32 v47, v14;
	v14 =	vld [tilespmem:$0x1FFB0]  }
0x1d0: {  	v7 =	vmovc v36;
	v36 =	vmov v48;
	v48 =	vld [tilespmem:s16+$0xFFFFFFE0];
	v3 =	vadd.f32 v61, v3;
	v61 =	vmul.f32 v39, v63  }
0x1d1: {  	v51 =	vmov v38;
	v38 =	vmov v49;
	v49 =	vld [tilespmem:s16+$0xFFFFFFF0];
	v2 =	vadd.f32 v2, v6;
	_ =	sdelay $0x1  }
0x1d2: {  	v60 =	vmul.f32 v52, v26;
	v0 =	vadd.f32 v5, v0;
	v2 =	vadd.f32 v2, v62  }
0x1d3: {  	s9 =	simm.s32 @!p2 $0x0;
	v62 =	vmul.f32 v52, v23;
	v3 =	vadd.f32 v61, v3;
	v6 =	vmul.f32 v50, v14;
	v61 =	vpop (erf)  }
0x1d4: {  	v5 =	vmul.f32 v48, v63;
	v2 =	vsub.f32 $0.0e+00, v2;
	v61 =	vmul.f32 s9, v61  }
0x1d5: {  	v26 =	vmovc v34;
	v0 =	vadd.f32 v4, v0;
	v63 =	vmul.f32 v49, v14;
	v3 =	vadd.f32 v6, v3  }
0x1d6: {  	s15 =	sadd.s32 $0x2, s15;
	v34 =	vmovc v54;
	[tilespmem:s0+$0x0] =	vst v60;
	v23 =	vmovc v29;
	v29 =	vmov v55;
	v2 =	vmul.f32 $1.442695020e+00, v2;
	v54 =	vmul.f32 v61, v24  }
0x1d7: {  	p0 =	slt.u32 s15, $0x6E;
	[tilespmem:s0+$0x10] =	vst v62;
	v14 =	vadd.f32 v5, v0;
	v6 =	vperm.xlane v3, v8;
	v55 =	vmul.f32 v61, v25  }
.Ltmp5:
0x1d8: {  	v25 =	vmov v42;
	v42 =	vmul.f32 v61, v33;
	v33 =	vmul.f32 v61, v53;
	[tilespmem:s0+$0xFFFFFF80] =	vst v54;
	(pc) =	sbr.rel @p0 .LBB2_9-.Ltmp5, $4  }
0x1d9: {  	v63 =	vadd.f32 v63, v14;
	(erf) = vpow2.f32 v2;
	v24 =	vmov v31;
	[tilespmem:s0+$0xFFFFFF90] =	vst v55  }
0x1da: {  	v31 =	vmov v57;
	v57 =	vpop (erf);
	v53 =	vmul.f32 v61, v1;
	v62 =	vadd.f32 v3, v6;
	[tilespmem:s0+$0xFFFFFFA0] =	vst v42  }
0x1db: {  	v55 =	vadd.f32 $1.000000000e+00, v57;
	v57 =	vmul.f32 v61, v59;
	v59 =	vperm.xlane v63, v8;
	[tilespmem:s0+$0xFFFFFFB0] =	vst v33  }
0x1dc: {  	s16 =	sadd.s32 $0x100, s16;
	v60 =	vperm.xlane v62, v9;
	v42 =	vmovc v56;
	v56 =	vmul.f32 v61, v7;
	v33 =	vmovc v35;
	v35 =	vmov v58  }
0x1dd: {  	v0 =	vadd.f32 v63, v59;
	_ =	sdelay $0x1  }
0x1de: {  	v6 =	vmov v9;
	v2 =	vperm.xlane v0, v9;
	v9 =	vld [tilespmem:$0x1FFF0];
	_ =	sdelay $0x2  }
0x1df: {  	v1 =	vadd.f32 v62, v60  }
0x1e0: {  	v0 =	vadd.f32 v0, v2  }
0x1e1: {  	v3 =	vperm.xlane v1, v9  }
0x1e2: {  	v2 =	vperm.xlane v0, v9  }
0x1e3: {  	v1 =	vadd.f32 v1, v3  }
0x1e4: {  	v7 =	vld [tilespmem:$0x1FFC0];
	v0 =	vadd.f32 v0, v2  }
0x1e5: {  	v3 =	vperm.xlane v1, v10  }
0x1e6: {  	v2 =	vperm.xlane v0, v10  }
0x1e7: {  	(erf) = vrcp.f32 v55;
	v63 =	vpop (erf);
	v1 =	vadd.f32 v1, v3  }
0x1e8: {  	v0 =	vadd.f32 v0, v2;
	v2 =	vadd.f32 $1.000000000e+00, v63  }
0x1e9: {  	v1 =	vadd.f32 v1, v7  }
0x1ea: {  	(erf) = vrcp.f32 v2  }
0x1eb: {  	v54 =	vld [tilespmem:$0x1FFE0];
	v1 =	vsub.f32 $0.0e+00, v1  }
0x1ec: {  	v58 =	vld [tilespmem:$0x1FFD0];
	s9 =	sadd.s32 s10, s14;
	[tilespmem:s0+$0xFFFFFFC0] =	vst v53  }
0x1ed: {  	v55 =	vmul.f32 v52, v19;
	s10 =	sadd.s32 $0x73, s9;
	[tilespmem:s0+$0xFFFFFFD0] =	vst v57;
	v1 =	vmul.f32 $1.442695020e+00, v1  }
0x1ee: {  	s15 =	simm.f32 $1.000000000e+00;
	v62 =	vmul.f32 v52, v16;
	[tilespmem:s0+$0xFFFFFFE0] =	vst v56;
	p0 =	slt.u32 s10, s8  }
0x1ef: {  	v16 =	vmul.f32 v52, v37;
	p2 =	sge.u32 s10, s7;
	[tilespmem:s0+$0x20] =	vst v55;
	s15 =	simm.s32 @!p0 $0x0;
	(erf) = vpow2.f32 v1  }
0x1f0: {  	s9 =	sadd.s32 $0x72, s9;
	v53 =	vmul.f32 v61, v51;
	[tilespmem:s0+$0x50] =	vst v62;
	s15 =	simm.s32 @!p2 $0x0;
	v60 =	vpop (erf)  }
0x1f1: {  	v57 =	vmul.f32 v52, v20;
	s10 =	simm.f32 $1.000000000e+00;
	p0 =	slt.u32 s9, s8;
	[tilespmem:s0+$0x60] =	vst v16;
	v63 =	vmul.f32 s15, v60;
	v0 =	vadd.f32 v0, v7  }
0x1f2: {  	v61 =	vmul.f32 v52, v21;
	[tilespmem:s0+$0xFFFFFFF0] =	vst v53;
	p2 =	sge.u32 s9, s7;
	s10 =	simm.s32 @!p0 $0x0  }
0x1f3: {  	[tilespmem:s0+$0x30] =	vst v57;
	s10 =	simm.s32 @!p2 $0x0;
	v20 =	vmul.f32 v63, v41;
	v0 =	vsub.f32 $0.0e+00, v0;
	v19 =	vpop (erf)  }
0x1f4: {  	s16 =	sadd.s32 $0x100, s0;
	[tilespmem:s0+$0x40] =	vst v61;
	v21 =	vmul.f32 v63, v26;
	v3 =	vmul.f32 s10, v19  }
0x1f5: {  	v23 =	vmul.f32 v63, v23;
	[tilespmem:s16+$0x70] =	vst v20;
	v0 =	vmul.f32 $1.442695020e+00, v0  }
0x1f6: {  	[tilespmem:s16+$0x0] =	vst v21;
	v24 =	vmul.f32 v3, v24  }
0x1f7: {  	[tilespmem:s16+$0x10] =	vst v23;
	(erf) = vpow2.f32 v0;
	v5 =	vmul.f32 v3, v25  }
0x1f8: {  	v26 =	vmul.f32 v3, v33;
	[tilespmem:s16+$0xFFFFFF80] =	vst v24;
	v4 =	vpop (erf)  }
0x1f9: {  	v33 =	vmul.f32 v3, v30;
	[tilespmem:s16+$0xFFFFFF90] =	vst v5;
	v4 =	vadd.f32 $1.000000000e+00, v4  }
0x1fa: {  	v5 =	vmul.f32 v3, v40;
	[tilespmem:s16+$0xFFFFFFA0] =	vst v26  }
0x1fb: {  	[tilespmem:s16+$0xFFFFFFD0] =	vst v33;
	(erf) = vrcp.f32 v4;
	v4 =	vmul.f32 v3, v43  }
0x1fc: {  	[tilespmem:s16+$0xFFFFFFC0] =	vst v5  }
0x1fd: {  	[tilespmem:s16+$0xFFFFFFB0] =	vst v4  }
0x1fe: {  	v1 =	vld [tilespmem:$0x1FED0];
	_ =	sdelay $0x1  }
0x1ff: {  	s6 =	sadd.s32 s6, s14;
	v36 =	vmul.f32 v3, v36;
	v25 =	vpop (erf)  }
0x200: {  	s18 =	sadd.s32 $0x73, s6;
	v2 =	vadd.f32 $1.000000000e+00, v25;
	v3 =	vmul.f32 v3, v38  }
0x201: {  	p0 =	slt.u32 s18, s8;
	v37 =	vmul.f32 v63, v15;
	s10 =	simm.f32 $1.000000000e+00;
	[tilespmem:s16+$0xFFFFFFE0] =	vst v36  }
0x202: {  	p2 =	sge.u32 s18, s7;
	s10 =	simm.s32 @!p0 $0x0;
	(erf) = vrcp.f32 v2;
	[tilespmem:s16+$0xFFFFFFF0] =	vst v3;
	v1 =	vmul.f32 v63, v1  }
0x203: {  	s10 =	simm.s32 @!p2 $0x0;
	v38 =	vmul.f32 v63, v17;
	[tilespmem:s16+$0x30] =	vst v37;
	v40 =	vpop (erf)  }
0x204: {  	v0 =	vmul.f32 v63, v18;
	[tilespmem:s16+$0x20] =	vst v1;
	v1 =	vmul.f32 s10, v40  }
0x205: {  	v4 =	vmul.f32 v63, v22;
	[tilespmem:s16+$0x40] =	vst v38  }
0x206: {  	[tilespmem:s16+$0x60] =	vst v0;
	v41 =	vmul.f32 v1, v50  }
0x207: {  	s0 =	sadd.s32 $0x100, s16;
	[tilespmem:s16+$0x50] =	vst v4;
	v50 =	vmul.f32 v1, v34  }
0x208: {  	s6 =	sadd.s32 $0x72, s6;
	v51 =	vmul.f32 v1, v29;
	[tilespmem:s0+$0x70] =	vst v41  }
0x209: {  	s9 =	simm.f32 $1.000000000e+00;
	p0 =	slt.u32 s6, s8;
	v60 =	vmul.f32 v1, v27;
	[tilespmem:s0+$0x0] =	vst v50  }
0x20a: {  	p2 =	sge.u32 s6, s7;
	s9 =	simm.s32 @!p0 $0x0;
	v61 =	vmul.f32 v1, v28;
	[tilespmem:s0+$0x10] =	vst v51  }
0x20b: {  	s9 =	simm.s32 @!p2 $0x0;
	v43 =	vpop (erf);
	v62 =	vmul.f32 v1, v32;
	[tilespmem:s0+$0x20] =	vst v60  }
0x20c: {  	v3 =	vmul.f32 s9, v43;
	v63 =	vmul.f32 v1, v44;
	[tilespmem:s0+$0x30] =	vst v61  }
0x20d: {  	v1 =	vmul.f32 v1, v39;
	[tilespmem:s0+$0x40] =	vst v62  }
0x20e: {  	v52 =	vmul.f32 v3, v31;
	[tilespmem:s0+$0x50] =	vst v63  }
0x20f: {  	v4 =	vmul.f32 v3, v42;
	[tilespmem:s0+$0x60] =	vst v1  }
0x210: {  	v53 =	vmul.f32 v3, v35;
	[tilespmem:s0+$0xFFFFFF80] =	vst v52  }
0x211: {  	v55 =	vmul.f32 v3, v46;
	[tilespmem:s0+$0xFFFFFF90] =	vst v4  }
0x212: {  	v56 =	vmul.f32 v3, v47;
	[tilespmem:s0+$0xFFFFFFA0] =	vst v53  }
.Ltmp6:
0x213: {  	v57 =	vmul.f32 v3, v48;
	[tilespmem:s0+$0xFFFFFFB0] =	vst v55;
	(pc) =	sbr.rel @p1 .LBB2_12-.Ltmp6, $4  }
0x214: {  	v4 =	vmul.f32 v3, v45;
	[tilespmem:s0+$0xFFFFFFD0] =	vst v56  }
0x215: {  	v3 =	vmul.f32 v3, v49;
	[tilespmem:s0+$0xFFFFFFE0] =	vst v57  }
0x216: {  	[tilespmem:s0+$0xFFFFFFC0] =	vst v4  }
0x217: {  	v59 =	vmov v10;
	[tilespmem:s0+$0xFFFFFFF0] =	vst v3  }
0x218: {  	s0 =	sadd.s32 s20, s13  }
0x219: {  	s0 =	sshll.u32 s0, $0x4  }
.Ltmp7:
0x21a: {  	s28 =	sshll.u32 s28, $0x7;
	s0 =	sadd.s32 s1, s0;
	(pc) =	sbr.rel .LBB2_6-.Ltmp7, $4  }
0x21b: {  	[tilespmem:s23], [sflag:$0x2] =	stream.linear.gather [hbm4b:s0+s5], $0x3800, $0x38;
	[tilespmem:$0x10D00] =	vst v63  }
0x21c: {  	v4 =	vmov v7;
	v7 =	vmov v8;
	v8 =	vmov v6;
	v6 =	vld [tilespmem:$0x1FF90];
	s0 =	sand.u32 $0x3FFFFF80, s28  }
0x21d: {  	s2 =	sadd.s32 $0x1, s2;
	s14 =	sadd.s32 $0xE0, s14;
	v2 =	vld [tilespmem:$0x1FFA0];
	s0 =	sadd.s32 $0xE000, s0  }
0x21e: {  	v5 =	vmov v59;
	v0 =	vmov v58;
	v1 =	vmov v54;
	v3 =	vld [tilespmem:$0x1FFB0];
	[spmem:s4] =	stream.indirect.scatter.add.f32 [tilespmem:s29], [sflag:$0x4], $0x80, s0, s25, $0xb8  }
.LBB2_13:
0x21f: {  	_ =	sfence.sel $0x180000  }
0x220: {  	[bflag:$0x0] =	sbarrier.arrive $0xFFFF  }
0x221: {  	_ =	strace $0x90000047  }
0x222: {  	s0 =	stileid.u32;
	[bflag:$0x2] =	sbarrier.arrive $0xFFFF  }
0x223: {  	p0 =	sne.s32 s0, $0x0;
	s0 =	rddreg [dreg:$0x5]  }
0x224: {  	s0 =	sadd.s32 @!p0 $0x100000, s0  }
0x225: {  	[sflag:s0] =	ssyncadd.tile.s32 @!p0 $0x1;
	_ =	shalt  }
.Lfunc_end2:
_tile_overlayer_lowered:
.L_overlay_start_2:
0x226: {  	(tag) =	ssettag $0x2  }
0x227: {  	s0 =	rddreg [dreg:$0x0];
	s2 =	stileid.u32  }
0x228: {  	s1 =	rddreg [dreg:$0x1];
	p0 =	sne.s32 s2, $0x0  }
0x229: {  	s3 =	rddreg [dreg:$0x2];
	[bflag:$0x3] =	sbarrier.arrive $0xFFFF;
	s2 =	simm.s32 @!p0 $0x1C06  }
0x22a: {  	[timem:s3], [sflag:s2] =	dma.local @!p0 [hbm:s0], s1  }
0x22b: {  	s0 =	simm.s32 @!p0 $0x6  }
0x22c: {  	_ =	swait.ge @!p0 [sflag:s0], s1  }
0x22d: {  	s1 =	ssub.s32 @!p0 $0x0, s1;
	[sflag:s0] =	ssyncset.done @!p0 $0x0  }
0x22e: {  	[sflag:s0] =	ssyncadd.s32 @!p0 s1  }
0x22f: {  	[bflag:$0x3] =	sbarrier.arrive $0xFFFF  }
0x230: {  	_ =	shalt  }

</sc_bundles>
